<compile_context>
chip_gen: v7x
topology: tpu7x:2x2x1
jax: 0.10.2.dev20260603
libtpu: 0.0.44.dev20260713+nightly
codegen_flags: <defaults>
</compile_context>

<pallas_src>
import functools

import jax
import jax.numpy as jnp
from jax import lax
from jax.experimental import pallas as pl
from jax.experimental.pallas import tpu as pltpu
from jax.experimental.pallas import tpu_sc as plsc

_B, _N, _D = 4, 4096, 3
_K = 16
_L = 16
_NC, _NS = 2, 16
_NW = _NC * _NS
_QPW = _B * _N // _NW
_WPB = _NW // _B
_NCHUNK = _N // _L
_QI = 2


def _knn_body(posT_hbm, out_hbm, x_v, y_v, z_v, ctx_v,
              bufda_v, bufia_v, bufdb_v, bufib_v, d2a_v, d2b_v):
    cid = lax.axis_index("c")
    sid = lax.axis_index("s")
    wid = cid * _NS + sid
    b = wid // _WPB
    qoff = (wid % _WPB) * _QPW
    pltpu.sync_copy(posT_hbm.at[pl.ds((b * 3 + 0) * _N, _N)], x_v)
    pltpu.sync_copy(posT_hbm.at[pl.ds((b * 3 + 1) * _N, _N)], y_v)
    pltpu.sync_copy(posT_hbm.at[pl.ds((b * 3 + 2) * _N, _N)], z_v)

    lanes = lax.iota(jnp.int32, _L)

    inf_v = jnp.full((_L,), jnp.inf, jnp.float32)
    zero_i = jnp.zeros((_L,), jnp.int32)

    def _mergev(bd, bi, cd, ci):
        sd, si = plsc.sort_key_val(cd, ci)
        rd = lax.rev(sd, (0,))
        ri = lax.rev(si, (0,))
        keep = bd <= rd
        nd = jnp.where(keep, bd, rd)
        ni = jnp.where(keep, bi, ri)
        nd2, ni2 = plsc.sort_key_val(nd, ni)
        return nd2, ni2

    def q_body(qi, carry):
        qa = qoff + 2 * qi
        qb = qa + 1
        qidxa = zero_i + qa
        qidxb = zero_i + qb
        qxa = plsc.load_gather(x_v, [qidxa])
        qya = plsc.load_gather(y_v, [qidxa])
        qza = plsc.load_gather(z_v, [qidxa])
        qxb = plsc.load_gather(x_v, [qidxb])
        qyb = plsc.load_gather(y_v, [qidxb])
        qzb = plsc.load_gather(z_v, [qidxb])

        def a_body(c, mins):
            mina, minb = mins
            base = c * _L
            cx = x_v[pl.ds(base, _L)]
            cy = y_v[pl.ds(base, _L)]
            cz = z_v[pl.ds(base, _L)]
            dxa = cx - qxa
            dya = cy - qya
            dza = cz - qza
            d2a = dxa * dxa + dya * dya + dza * dza
            dxb = cx - qxb
            dyb = cy - qyb
            dzb = cz - qzb
            d2b = dxb * dxb + dyb * dyb + dzb * dzb
            d2a_v[pl.ds(base, _L)] = d2a
            d2b_v[pl.ds(base, _L)] = d2b
            return (jnp.minimum(mina, d2a), jnp.minimum(minb, d2b))

        mina, minb = plsc.parallel_loop(
            0, _NCHUNK, carry=(inf_v, inf_v), unroll=4)(a_body)
        ta = jnp.zeros((_L,), jnp.float32) + jnp.max(mina)
        tb = jnp.zeros((_L,), jnp.float32) + jnp.max(minb)

        def b_body(c, cur):
            cva, cvb = cur
            base = c * 2 * _L
            d2a0 = d2a_v[pl.ds(base, _L)]
            d2b0 = d2b_v[pl.ds(base, _L)]
            d2a1 = d2a_v[pl.ds(base + _L, _L)]
            d2b1 = d2b_v[pl.ds(base + _L, _L)]
            ci0 = lanes + base
            ci1 = ci0 + _L
            ma0 = d2a0 <= ta
            mb0 = d2b0 <= tb
            ma1 = d2a1 <= ta
            mb1 = d2b1 <= tb
            pca0 = plsc.all_reduce_population_count(ma0)
            pcb0 = plsc.all_reduce_population_count(mb0)
            pca1 = plsc.all_reduce_population_count(ma1)
            pcb1 = plsc.all_reduce_population_count(mb1)
            packed = (jnp.where(ma0, 1, 0) + jnp.where(mb0, 1 << 8, 0)
                      + jnp.where(ma1, 1 << 16, 0)
                      + jnp.where(mb1, 1 << 24, 0))
            cs = plsc.cumsum(packed)
            desta0 = cva + (cs & 255) - 1
            destb0 = cvb + ((cs >> 8) & 255) - 1
            cva1 = cva + pca0
            cvb1 = cvb + pcb0
            desta1 = cva1 + ((cs >> 16) & 255) - 1
            destb1 = cvb1 + ((cs >> 24) & 255) - 1
            plsc.store_scatter(bufda_v, [desta0], d2a0, mask=ma0)
            plsc.store_scatter(bufia_v, [desta0], ci0, mask=ma0)
            plsc.store_scatter(bufdb_v, [destb0], d2b0, mask=mb0)
            plsc.store_scatter(bufib_v, [destb0], ci0, mask=mb0)
            plsc.store_scatter(bufda_v, [desta1], d2a1, mask=ma1)
            plsc.store_scatter(bufia_v, [desta1], ci1, mask=ma1)
            plsc.store_scatter(bufdb_v, [destb1], d2b1, mask=mb1)
            plsc.store_scatter(bufib_v, [destb1], ci1, mask=mb1)
            return (cva1 + pca1, cvb1 + pcb1)

        cva, cvb = plsc.parallel_loop(
            0, _NCHUNK // 2, carry=(zero_i, zero_i), unroll=4)(b_body)

        def _select(cnt_vec, bufd, bufi):
            cnt = cnt_vec[0]
            nch = (cnt + _L - 1) // _L

            def s_body(j, bst):
                bd, bi = bst
                valid = lanes < (cnt - j * _L)
                cd = jnp.where(valid, bufd[pl.ds(j * _L, _L)], jnp.inf)
                ci2 = bufi[pl.ds(j * _L, _L)]
                return _mergev(bd, bi, cd, ci2)

            return lax.fori_loop(0, nch, s_body, (inf_v, zero_i))

        bda, bia = _select(cva, bufda_v, bufia_v)
        bdb, bib = _select(cvb, bufdb_v, bufib_v)

        inv = jnp.float32(1.0 / _K)
        for q, qi2, bi2, qx, qy, qz in (
                (qa, 2 * qi, bia, qxa, qya, qza),
                (qb, 2 * qi + 1, bib, qxb, qyb, qzb)):
            nx = plsc.load_gather(x_v, [bi2])
            ny = plsc.load_gather(y_v, [bi2])
            nz = plsc.load_gather(z_v, [bi2])
            cxs = jnp.sum(nx) * inv - qx[0]
            cys = jnp.sum(ny) * inv - qy[0]
            czs = jnp.sum(nz) * inv - qz[0]
            vals = jnp.where(lanes == 0, cxs, jnp.where(lanes == 1, cys, czs))
            idxv = qi2 + _QPW * jnp.minimum(lanes, 2)
            plsc.store_scatter(ctx_v, [idxv], vals, mask=lanes < 3)
        return carry

    lax.fori_loop(0, _QPW // 2, q_body, 0)
    pltpu.sync_copy(ctx_v, out_hbm.at[pl.ds(wid * 3 * _QPW, 3 * _QPW)])


_knn_sc = functools.partial(
    pl.kernel,
    out_type=jax.ShapeDtypeStruct((_NW * 3 * _QPW,), jnp.float32),
    mesh=plsc.VectorSubcoreMesh(core_axis_name="c", subcore_axis_name="s"),
    compiler_params=pltpu.CompilerParams(needs_layout_passes=False),
    scratch_types=[
        pltpu.VMEM((_N,), jnp.float32),
        pltpu.VMEM((_N,), jnp.float32),
        pltpu.VMEM((_N,), jnp.float32),
        pltpu.VMEM((3 * _QPW,), jnp.float32),
        pltpu.VMEM((_N,), jnp.float32),
        pltpu.VMEM((_N,), jnp.int32),
        pltpu.VMEM((_N,), jnp.float32),
        pltpu.VMEM((_N,), jnp.int32),
        pltpu.VMEM((_N,), jnp.float32),
        pltpu.VMEM((_N,), jnp.float32),
    ],
)(_knn_body)


def _mlp_body(x_ref, goal_ref, w1_ref, b1_ref, w2_ref, b2_ref, wg_ref,
              bg_ref, wb_ref, bb_ref, wa_ref, ba_ref, o_ref):
    x = x_ref[...]
    h = jnp.maximum(
        jnp.dot(x, w1_ref[...], preferred_element_type=jnp.float32)
        + b1_ref[...], 0.0)
    f = jnp.maximum(
        jnp.dot(h, w2_ref[...], preferred_element_type=jnp.float32)
        + b2_ref[...], 0.0)
    goal = goal_ref[0]
    g = jnp.dot(goal, wg_ref[...],
                preferred_element_type=jnp.float32) + bg_ref[...]
    bt = jnp.dot(goal, wb_ref[...],
                 preferred_element_type=jnp.float32) + bb_ref[...]
    f = g * f + bt
    o_ref[...] = jnp.maximum(
        jnp.dot(f, wa_ref[...], preferred_element_type=jnp.float32)
        + ba_ref[...], 0.0)


_ROWS = 512
_GOAL_DIM = 16
_HID1 = 64
_HID2 = 128
_AFF = 32


def _mlp_tc(x, goal, w1t, b1, w2t, b2, wgt, bg, wbt, bb, wat, ba):
    nblk = _B * _N // _ROWS
    blk_per_b = _N // _ROWS
    rep = lambda i: (0, 0)
    return pl.pallas_call(
        _mlp_body,
        grid=(nblk,),
        in_specs=[
            pl.BlockSpec((_ROWS, 8), lambda i: (i, 0)),
            pl.BlockSpec((1, 1, _GOAL_DIM), lambda i: (i // blk_per_b, 0, 0)),
            pl.BlockSpec((8, _HID1), rep),
            pl.BlockSpec((1, _HID1), rep),
            pl.BlockSpec((_HID1, _HID2), rep),
            pl.BlockSpec((1, _HID2), rep),
            pl.BlockSpec((_GOAL_DIM, _HID2), rep),
            pl.BlockSpec((1, _HID2), rep),
            pl.BlockSpec((_GOAL_DIM, _HID2), rep),
            pl.BlockSpec((1, _HID2), rep),
            pl.BlockSpec((_HID2, _AFF), rep),
            pl.BlockSpec((1, _AFF), rep),
        ],
        out_specs=pl.BlockSpec((_ROWS, _AFF), lambda i: (i, 0)),
        out_shape=jax.ShapeDtypeStruct((_B * _N, _AFF), jnp.float32),
    )(x, goal, w1t, b1, w2t, b2, wgt, bg, wbt, bb, wat, ba)


def kernel(pos, goal, W1, b1, W2, b2, Wg, bg, Wb, bb, Wa, ba):
    posT = jnp.transpose(pos, (0, 2, 1)).reshape(-1)
    ctx = _knn_sc(posT)
    ctx = (ctx.reshape(_B, _WPB, 3, _QPW)
              .transpose(0, 2, 1, 3)
              .reshape(_B, 3, _N)
              .transpose(0, 2, 1))
    x = jnp.concatenate(
        [pos, ctx, jnp.zeros((_B, _N, 2), jnp.float32)], axis=-1
    ).reshape(_B * _N, 8)
    w1t = jnp.pad(W1.T, ((0, 2), (0, 0)))
    out = _mlp_tc(x, goal.reshape(_B, 1, _GOAL_DIM), w1t,
                  b1.reshape(1, -1), W2.T, b2.reshape(1, -1),
                  Wg.T, bg.reshape(1, -1), Wb.T, bb.reshape(1, -1),
                  Wa.T, ba.reshape(1, -1))
    return out.reshape(_B, _N, _AFF)

# --- scband reference (transcript-rebuilt; emitter-appended) ---
"""Pipeline reference for scband-functor-f-v2-71262097375899 (READ-ONLY COPY).

The authoritative reference and input builder live on the scoring server;
editing this copy changes nothing except your own understanding.
"""

import jax, jax.numpy as jnp
import numpy as np

B, N, D = 4, 4096, 3
K = 16
GOAL_DIM = 16
HIDDEN = 128
AFF = 32

def _linear_params(key, fan_in, fan_out):
    k1, k2 = jax.random.split(key)
    bound = 1.0 / np.sqrt(fan_in)
    W = jax.random.uniform(k1, (fan_out, fan_in), minval=-bound, maxval=bound, dtype=jnp.float32)
    b = jax.random.uniform(k2, (fan_out,), minval=-bound, maxval=bound, dtype=jnp.float32)
    return W, b

def setup_inputs(seed: int = 0) -> dict:
    key = jax.random.key(seed)
    ks = jax.random.split(key, 8)
    pos = jax.random.normal(ks[0], (B, N, D), dtype=jnp.float32)
    goal = jax.random.normal(ks[1], (B, GOAL_DIM), dtype=jnp.float32)
    W1, b1 = _linear_params(ks[2], D * 2, 64)
    W2, b2 = _linear_params(ks[3], 64, HIDDEN)
    Wg, bg = _linear_params(ks[4], GOAL_DIM, HIDDEN)
    Wb, bb = _linear_params(ks[5], GOAL_DIM, HIDDEN)
    Wa, ba = _linear_params(ks[6], HIDDEN, AFF)
    return {"pos": pos, "goal": goal, "W1": W1, "b1": b1, "W2": W2, "b2": b2,
            "Wg": Wg, "bg": bg, "Wb": Wb, "bb": bb, "Wa": Wa, "ba": ba}

def reference(pos, goal, W1, b1, W2, b2, Wg, bg, Wb, bb, Wa, ba):
    # pairwise euclidean distances (torch.cdist, p=2)
    sq = jnp.sum(pos * pos, axis=-1)                                   # (B, N)
    d2 = sq[:, :, None] + sq[:, None, :] - 2.0 * jnp.einsum('bnd,bmd->bnm', pos, pos)
    dists = jnp.sqrt(jnp.maximum(d2, 0.0))                             # (B, N, N)
    # k smallest distances -> neighbor indices (includes self at distance 0)
    _, idx = jax.lax.top_k(-dists, K)                                  # (B, N, K)
    # gather neighbor coordinates: neighbors[b,i,j,:] = pos[b, idx[b,i,j], :]
    neighbors = jax.vmap(lambda p, i: p[i])(pos, idx)                  # (B, N, K, D)
    relative = neighbors - pos[:, :, None, :]                          # (B, N, K, D)
    local_context = jnp.mean(relative, axis=2)                         # (B, N, D)
    local_input = jnp.concatenate([pos, local_context], axis=-1)       # (B, N, 2D)
    h = jax.nn.relu(local_input @ W1.T + b1)
    features = jax.nn.relu(h @ W2.T + b2)                              # (B, N, HIDDEN)
    gamma = (goal @ Wg.T + bg)[:, None, :]                             # (B, 1, HIDDEN)
    beta = (goal @ Wb.T + bb)[:, None, :]
    features = gamma * features + beta
    affordances = jax.nn.relu(features @ Wa.T + ba)                    # (B, N, AFF)
    return affordances

if __name__ == "__main__":
    import jax
    _d = setup_inputs()
    print(jax.jit(kernel)(*tuple(_d.values())))

</pallas_src>

<mosaic_0001>
#map = affine_map<(d0, d1) -> (0)>
module attributes {stable_mosaic.version = 14 : i64} {
  func.func @_knn_body(%arg0: i32, %arg1: i32, %arg2: memref<49152xf32, #tpu.memory_space<hbm>>, %arg3: memref<49152xf32, #tpu.memory_space<hbm>>, %arg4: memref<4096xf32, #tpu.memory_space<vmem>>, %arg5: memref<4096xf32, #tpu.memory_space<vmem>>, %arg6: memref<4096xf32, #tpu.memory_space<vmem>>, %arg7: memref<1536xf32, #tpu.memory_space<vmem>>, %arg8: memref<4096xf32, #tpu.memory_space<vmem>>, %arg9: memref<4096xi32, #tpu.memory_space<vmem>>, %arg10: memref<4096xf32, #tpu.memory_space<vmem>>, %arg11: memref<4096xi32, #tpu.memory_space<vmem>>, %arg12: memref<4096xf32, #tpu.memory_space<vmem>>, %arg13: memref<4096xf32, #tpu.memory_space<vmem>>) attributes {dimension_semantics = [#tpu.dimension_semantics<core_parallel>, #tpu.dimension_semantics<subcore_parallel>], iteration_bounds = array<i64: 2, 16>, scalar_prefetch = 0 : i64, scratch_operands = 10 : i64, tpu.core_type = #tpu.core_type<sc_vector_subcore>, window_params = [{transform_indices = #map}, {transform_indices = #map}]} {
    %mul3A = arith.constant 16 : i32
    %mul3A_0 = arith.muli %arg0, %mul3A : i32
    %add3A = arith.addi %mul3A_0, %arg1 : i32
    %jit3A = arith.constant 8 : i32
    %div3A = arith.divsi %add3A, %jit3A : i32
    %sign3A = arith.constant 0 : i32
    %sign3A_1 = arith.cmpi sgt, %add3A, %sign3A : i32
    %sign3A_2 = arith.extui %sign3A_1 : i1 to i32
    %sign3A_3 = arith.constant 0 : i32
    %sign3A_4 = arith.cmpi slt, %add3A, %sign3A_3 : i32
    %sign3A_5 = arith.extui %sign3A_4 : i1 to i32
    %sign3A_6 = arith.subi %sign3A_2, %sign3A_5 : i32
    %sign3A_7 = arith.constant 0 : i32
    %sign3A_8 = arith.cmpi sgt, %jit3A, %sign3A_7 : i32
    %sign3A_9 = arith.extui %sign3A_8 : i1 to i32
    %sign3A_10 = arith.constant 0 : i32
    %sign3A_11 = arith.cmpi slt, %jit3A, %sign3A_10 : i32
    %sign3A_12 = arith.extui %sign3A_11 : i1 to i32
    %sign3A_13 = arith.subi %sign3A_9, %sign3A_12 : i32
    %ne3A = arith.cmpi ne, %sign3A_6, %sign3A_13 : i32
    %rem3A = arith.remsi %add3A, %jit3A : i32
    %ne3A_14 = arith.constant 0 : i32
    %ne3A_15 = arith.cmpi ne, %rem3A, %ne3A_14 : i32
    %and3A = arith.andi %ne3A, %ne3A_15 : i1
    %sub3A = arith.constant 1 : i32
    %sub3A_16 = arith.subi %div3A, %sub3A : i32
    %select_n3A = arith.select %and3A, %sub3A_16, %div3A : i32
    %jit3A_17 = arith.constant 8 : i32
    %eq3A = arith.constant 0 : i32
    %eq3A_18 = arith.cmpi eq, %jit3A_17, %eq3A : i32
    %jit3A_19 = arith.constant 1 : i32
    %select_n3A_20 = arith.select %eq3A_18, %jit3A_19, %jit3A_17 : i32
    %rem3A_21 = arith.remsi %add3A, %select_n3A_20 : i32
    %ne3A_22 = arith.constant 0 : i32
    %ne3A_23 = arith.cmpi ne, %rem3A_21, %ne3A_22 : i32
    %lt3A = arith.constant 0 : i32
    %lt3A_24 = arith.cmpi slt, %rem3A_21, %lt3A : i32
    %lt3A_25 = arith.constant 0 : i32
    %lt3A_26 = arith.cmpi slt, %select_n3A_20, %lt3A_25 : i32
    %ne3A_27 = arith.xori %lt3A_24, %lt3A_26 : i1
    %and3A_28 = arith.andi %ne3A_27, %ne3A_23 : i1
    %add3A_29 = arith.addi %rem3A_21, %select_n3A_20 : i32
    %select_n3A_30 = arith.select %and3A_28, %add3A_29, %rem3A_21 : i32
    %mul3A_31 = arith.constant 512 : i32
    %mul3A_32 = arith.muli %select_n3A_30, %mul3A_31 : i32
    %mul3A_33 = arith.constant 3 : i32
    %mul3A_34 = arith.muli %select_n3A, %mul3A_33 : i32
    %add3A_35 = arith.constant 0 : i32
    %add3A_36 = arith.addi %mul3A_34, %add3A_35 : i32
    %mul3A_37 = arith.constant 4096 : i32
    %mul3A_38 = arith.muli %add3A_36, %mul3A_37 : i32
    "tpu.region"() ({
      %run_scoped3A = tpu.sem_alloc : memref<!tpu.dma_semaphore, #tpu.memory_space<semaphore_mem>>
      %dma_start3A = tpu.memref_slice %arg2[%mul3A_38] : memref<49152xf32, #tpu.memory_space<hbm>> -> memref<4096xf32, #tpu.memory_space<hbm>>
      %dma_start3A_63 = tpu.memref_slice %arg2[%mul3A_38] : memref<49152xf32, #tpu.memory_space<hbm>> -> memref<4096xf32, #tpu.memory_space<hbm>>
      tpu.enqueue_dma source(%dma_start3A_63 : memref<4096xf32, #tpu.memory_space<hbm>>) target(%arg4 : memref<4096xf32, #tpu.memory_space<vmem>>) target_semaphore(%run_scoped3A : memref<!tpu.dma_semaphore, #tpu.memory_space<semaphore_mem>>)
      %dma_wait3A = tpu.memref_slice %arg2[%mul3A_38] : memref<49152xf32, #tpu.memory_space<hbm>> -> memref<4096xf32, #tpu.memory_space<hbm>>
      %dma_wait3A_64 = tpu.memref_slice %arg2[%mul3A_38] : memref<49152xf32, #tpu.memory_space<hbm>> -> memref<4096xf32, #tpu.memory_space<hbm>>
      tpu.wait_dma2 semaphore(%run_scoped3A : memref<!tpu.dma_semaphore, #tpu.memory_space<semaphore_mem>>) src(%dma_wait3A_64 : memref<4096xf32, #tpu.memory_space<hbm>>) dst(%arg4 : memref<4096xf32, #tpu.memory_space<vmem>>)
      tpu.yield
    }) : () -> ()
    %mul3A_39 = arith.constant 3 : i32
    %mul3A_40 = arith.muli %select_n3A, %mul3A_39 : i32
    %add3A_41 = arith.constant 1 : i32
    %add3A_42 = arith.addi %mul3A_40, %add3A_41 : i32
    %mul3A_43 = arith.constant 4096 : i32
    %mul3A_44 = arith.muli %add3A_42, %mul3A_43 : i32
    "tpu.region"() ({
      %run_scoped3A = tpu.sem_alloc : memref<!tpu.dma_semaphore, #tpu.memory_space<semaphore_mem>>
      %dma_start3A = tpu.memref_slice %arg2[%mul3A_44] : memref<49152xf32, #tpu.memory_space<hbm>> -> memref<4096xf32, #tpu.memory_space<hbm>>
      %dma_start3A_63 = tpu.memref_slice %arg2[%mul3A_44] : memref<49152xf32, #tpu.memory_space<hbm>> -> memref<4096xf32, #tpu.memory_space<hbm>>
      tpu.enqueue_dma source(%dma_start3A_63 : memref<4096xf32, #tpu.memory_space<hbm>>) target(%arg5 : memref<4096xf32, #tpu.memory_space<vmem>>) target_semaphore(%run_scoped3A : memref<!tpu.dma_semaphore, #tpu.memory_space<semaphore_mem>>)
      %dma_wait3A = tpu.memref_slice %arg2[%mul3A_44] : memref<49152xf32, #tpu.memory_space<hbm>> -> memref<4096xf32, #tpu.memory_space<hbm>>
      %dma_wait3A_64 = tpu.memref_slice %arg2[%mul3A_44] : memref<49152xf32, #tpu.memory_space<hbm>> -> memref<4096xf32, #tpu.memory_space<hbm>>
      tpu.wait_dma2 semaphore(%run_scoped3A : memref<!tpu.dma_semaphore, #tpu.memory_space<semaphore_mem>>) src(%dma_wait3A_64 : memref<4096xf32, #tpu.memory_space<hbm>>) dst(%arg5 : memref<4096xf32, #tpu.memory_space<vmem>>)
      tpu.yield
    }) : () -> ()
    %mul3A_45 = arith.constant 3 : i32
    %mul3A_46 = arith.muli %select_n3A, %mul3A_45 : i32
    %add3A_47 = arith.constant 2 : i32
    %add3A_48 = arith.addi %mul3A_46, %add3A_47 : i32
    %mul3A_49 = arith.constant 4096 : i32
    %mul3A_50 = arith.muli %add3A_48, %mul3A_49 : i32
    "tpu.region"() ({
      %run_scoped3A = tpu.sem_alloc : memref<!tpu.dma_semaphore, #tpu.memory_space<semaphore_mem>>
      %dma_start3A = tpu.memref_slice %arg2[%mul3A_50] : memref<49152xf32, #tpu.memory_space<hbm>> -> memref<4096xf32, #tpu.memory_space<hbm>>
      %dma_start3A_63 = tpu.memref_slice %arg2[%mul3A_50] : memref<49152xf32, #tpu.memory_space<hbm>> -> memref<4096xf32, #tpu.memory_space<hbm>>
      tpu.enqueue_dma source(%dma_start3A_63 : memref<4096xf32, #tpu.memory_space<hbm>>) target(%arg6 : memref<4096xf32, #tpu.memory_space<vmem>>) target_semaphore(%run_scoped3A : memref<!tpu.dma_semaphore, #tpu.memory_space<semaphore_mem>>)
      %dma_wait3A = tpu.memref_slice %arg2[%mul3A_50] : memref<49152xf32, #tpu.memory_space<hbm>> -> memref<4096xf32, #tpu.memory_space<hbm>>
      %dma_wait3A_64 = tpu.memref_slice %arg2[%mul3A_50] : memref<49152xf32, #tpu.memory_space<hbm>> -> memref<4096xf32, #tpu.memory_space<hbm>>
      tpu.wait_dma2 semaphore(%run_scoped3A : memref<!tpu.dma_semaphore, #tpu.memory_space<semaphore_mem>>) src(%dma_wait3A_64 : memref<4096xf32, #tpu.memory_space<hbm>>) dst(%arg6 : memref<4096xf32, #tpu.memory_space<vmem>>)
      tpu.yield
    }) : () -> ()
    %iota3A = tpu.iota {dimensions = array<i32: 0>} : vector<16xi32>
    %broadcast_in_dim3A = arith.constant 0x7F800000 : f32
    %broadcast_in_dim3A_51 = vector.broadcast %broadcast_in_dim3A : f32 to vector<16xf32>
    %broadcast_in_dim3A_52 = arith.constant 0 : i32
    %broadcast_in_dim3A_53 = vector.broadcast %broadcast_in_dim3A_52 : i32 to vector<16xi32>
    %scan3A = arith.constant 0 : i32
    %scan3A_54 = arith.constant 0 : i32
    %scan3A_55 = arith.constant 256 : i32
    %scan3A_56 = arith.addi %scan3A_54, %scan3A_55 : i32
    %scan3A_57 = arith.constant 1 : i32
    scf.for %scan3A_63 = %scan3A_54 to %scan3A_56 step %scan3A_57  : i32 {
      %mul3A_64 = arith.constant 2 : i32
      %mul3A_65 = arith.muli %mul3A_64, %scan3A_63 : i32
      %add3A_66 = arith.addi %mul3A_32, %mul3A_65 : i32
      %add3A_67 = arith.constant 1 : i32
      %add3A_68 = arith.addi %add3A_66, %add3A_67 : i32
      %add3A_69 = vector.broadcast %add3A_66 : i32 to vector<16xi32>
      %add3A_70 = arith.addi %broadcast_in_dim3A_53, %add3A_69 : vector<16xi32>
      %add3A_71 = vector.broadcast %add3A_68 : i32 to vector<16xi32>
      %add3A_72 = arith.addi %broadcast_in_dim3A_53, %add3A_71 : vector<16xi32>
      %gather3A = tpu.vector_load_idx %arg4[%add3A_70] : memref<4096xf32, #tpu.memory_space<vmem>>[vector<16xi32>], vector<16xf32>,
      %gather3A_73 = tpu.vector_load_idx %arg5[%add3A_70] : memref<4096xf32, #tpu.memory_space<vmem>>[vector<16xi32>], vector<16xf32>,
      %gather3A_74 = tpu.vector_load_idx %arg6[%add3A_70] : memref<4096xf32, #tpu.memory_space<vmem>>[vector<16xi32>], vector<16xf32>,
      %gather3A_75 = tpu.vector_load_idx %arg4[%add3A_72] : memref<4096xf32, #tpu.memory_space<vmem>>[vector<16xi32>], vector<16xf32>,
      %gather3A_76 = tpu.vector_load_idx %arg5[%add3A_72] : memref<4096xf32, #tpu.memory_space<vmem>>[vector<16xi32>], vector<16xf32>,
      %gather3A_77 = tpu.vector_load_idx %arg6[%add3A_72] : memref<4096xf32, #tpu.memory_space<vmem>>[vector<16xi32>], vector<16xf32>,
      %parallel_loop3A = arith.constant 0 : i32
      %parallel_loop3A_78 = arith.constant 256 : i32
      %parallel_loop3A_79 = arith.constant 1 : i32
      %parallel_loop3A_80:2 = scf.for %parallel_loop3A_287 = %parallel_loop3A to %parallel_loop3A_78 step %parallel_loop3A_79 iter_args(%parallel_loop3A_288 = %broadcast_in_dim3A_51, %parallel_loop3A_289 = %broadcast_in_dim3A_51) -> (vector<16xf32>, vector<16xf32>)  : i32 {
        %parallel_loop3A_290 = arith.constant 16 : i32
        %parallel_loop3A_291 = arith.muli %parallel_loop3A_287, %parallel_loop3A_290 : i32
        %parallel_loop3A_292 = arith.index_cast %parallel_loop3A_291 : i32 to index
        %parallel_loop3A_293 = tpu.vector_load %arg4[%parallel_loop3A_292] {strides = array<i32>} : memref<4096xf32, #tpu.memory_space<vmem>>, vector<16xf32>,
        %parallel_loop3A_294 = arith.index_cast %parallel_loop3A_291 : i32 to index
        %parallel_loop3A_295 = tpu.vector_load %arg5[%parallel_loop3A_294] {strides = array<i32>} : memref<4096xf32, #tpu.memory_space<vmem>>, vector<16xf32>,
        %parallel_loop3A_296 = arith.index_cast %parallel_loop3A_291 : i32 to index
        %parallel_loop3A_297 = tpu.vector_load %arg6[%parallel_loop3A_296] {strides = array<i32>} : memref<4096xf32, #tpu.memory_space<vmem>>, vector<16xf32>,
        %parallel_loop3A_298 = arith.subf %parallel_loop3A_293, %gather3A : vector<16xf32>
        %parallel_loop3A_299 = arith.subf %parallel_loop3A_295, %gather3A_73 : vector<16xf32>
        %parallel_loop3A_300 = arith.subf %parallel_loop3A_297, %gather3A_74 : vector<16xf32>
        %parallel_loop3A_301 = arith.mulf %parallel_loop3A_298, %parallel_loop3A_298 : vector<16xf32>
        %parallel_loop3A_302 = arith.mulf %parallel_loop3A_299, %parallel_loop3A_299 : vector<16xf32>
        %parallel_loop3A_303 = arith.addf %parallel_loop3A_301, %parallel_loop3A_302 : vector<16xf32>
        %parallel_loop3A_304 = arith.mulf %parallel_loop3A_300, %parallel_loop3A_300 : vector<16xf32>
        %parallel_loop3A_305 = arith.addf %parallel_loop3A_303, %parallel_loop3A_304 : vector<16xf32>
        %parallel_loop3A_306 = arith.subf %parallel_loop3A_293, %gather3A_75 : vector<16xf32>
        %parallel_loop3A_307 = arith.subf %parallel_loop3A_295, %gather3A_76 : vector<16xf32>
        %parallel_loop3A_308 = arith.subf %parallel_loop3A_297, %gather3A_77 : vector<16xf32>
        %parallel_loop3A_309 = arith.mulf %parallel_loop3A_306, %parallel_loop3A_306 : vector<16xf32>
        %parallel_loop3A_310 = arith.mulf %parallel_loop3A_307, %parallel_loop3A_307 : vector<16xf32>
        %parallel_loop3A_311 = arith.addf %parallel_loop3A_309, %parallel_loop3A_310 : vector<16xf32>
        %parallel_loop3A_312 = arith.mulf %parallel_loop3A_308, %parallel_loop3A_308 : vector<16xf32>
        %parallel_loop3A_313 = arith.addf %parallel_loop3A_311, %parallel_loop3A_312 : vector<16xf32>
        %parallel_loop3A_314 = arith.index_cast %parallel_loop3A_291 : i32 to index
        %parallel_loop3A_315 = tpu.vector_load %arg12[%parallel_loop3A_314] {strides = array<i32>} : memref<4096xf32, #tpu.memory_space<vmem>>, vector<16xf32>,
        tpu.vector_store %arg12[%parallel_loop3A_314], %parallel_loop3A_305 {strides = array<i32>} : memref<4096xf32, #tpu.memory_space<vmem>>, vector<16xf32>,
        %parallel_loop3A_316 = arith.index_cast %parallel_loop3A_291 : i32 to index
        %parallel_loop3A_317 = tpu.vector_load %arg13[%parallel_loop3A_316] {strides = array<i32>} : memref<4096xf32, #tpu.memory_space<vmem>>, vector<16xf32>,
        tpu.vector_store %arg13[%parallel_loop3A_316], %parallel_loop3A_313 {strides = array<i32>} : memref<4096xf32, #tpu.memory_space<vmem>>, vector<16xf32>,
        %parallel_loop3A_318 = arith.minimumf %parallel_loop3A_288, %parallel_loop3A_305 : vector<16xf32>
        %parallel_loop3A_319 = arith.minimumf %parallel_loop3A_289, %parallel_loop3A_313 : vector<16xf32>
        scf.yield %parallel_loop3A_318, %parallel_loop3A_319 : vector<16xf32>, vector<16xf32>
      } {sc.loop_unroll_factor = 4 : i64, sc.parallel_access}
      %broadcast_in_dim3A_81 = arith.constant 0.000000e+00 : f32
      %broadcast_in_dim3A_82 = vector.broadcast %broadcast_in_dim3A_81 : f32 to vector<16xf32>
      %reduce_max3A = arith.constant true
      %reduce_max3A_83 = vector.broadcast %reduce_max3A : i1 to vector<16xi1>
      %reduce_max3A_84 = tpu.scan <max>, %parallel_loop3A_80#0 masked %reduce_max3A_83 : vector<16xf32>, vector<16xi1> -> vector<16xf32>
      %reduce_max3A_85 = vector.extract %reduce_max3A_84[15] : f32 from vector<16xf32>
      %add3A_86 = vector.broadcast %reduce_max3A_85 : f32 to vector<16xf32>
      %add3A_87 = arith.addf %broadcast_in_dim3A_82, %add3A_86 : vector<16xf32>
      %broadcast_in_dim3A_88 = arith.constant 0.000000e+00 : f32
      %broadcast_in_dim3A_89 = vector.broadcast %broadcast_in_dim3A_88 : f32 to vector<16xf32>
      %reduce_max3A_90 = arith.constant true
      %reduce_max3A_91 = vector.broadcast %reduce_max3A_90 : i1 to vector<16xi1>
      %reduce_max3A_92 = tpu.scan <max>, %parallel_loop3A_80#1 masked %reduce_max3A_91 : vector<16xf32>, vector<16xi1> -> vector<16xf32>
      %reduce_max3A_93 = vector.extract %reduce_max3A_92[15] : f32 from vector<16xf32>
      %add3A_94 = vector.broadcast %reduce_max3A_93 : f32 to vector<16xf32>
      %add3A_95 = arith.addf %broadcast_in_dim3A_89, %add3A_94 : vector<16xf32>
      %parallel_loop3A_96 = arith.constant 0 : i32
      %parallel_loop3A_97 = arith.constant 128 : i32
      %parallel_loop3A_98 = arith.constant 1 : i32
      %parallel_loop3A_99:2 = scf.for %parallel_loop3A_287 = %parallel_loop3A_96 to %parallel_loop3A_97 step %parallel_loop3A_98 iter_args(%parallel_loop3A_288 = %broadcast_in_dim3A_53, %parallel_loop3A_289 = %broadcast_in_dim3A_53) -> (vector<16xi32>, vector<16xi32>)  : i32 {
        %parallel_loop3A_290 = arith.constant 2 : i32
        %parallel_loop3A_291 = arith.muli %parallel_loop3A_287, %parallel_loop3A_290 : i32
        %parallel_loop3A_292 = arith.constant 16 : i32
        %parallel_loop3A_293 = arith.muli %parallel_loop3A_291, %parallel_loop3A_292 : i32
        %parallel_loop3A_294 = arith.index_cast %parallel_loop3A_293 : i32 to index
        %parallel_loop3A_295 = tpu.vector_load %arg12[%parallel_loop3A_294] {strides = array<i32>} : memref<4096xf32, #tpu.memory_space<vmem>>, vector<16xf32>,
        %parallel_loop3A_296 = arith.index_cast %parallel_loop3A_293 : i32 to index
        %parallel_loop3A_297 = tpu.vector_load %arg13[%parallel_loop3A_296] {strides = array<i32>} : memref<4096xf32, #tpu.memory_space<vmem>>, vector<16xf32>,
        %parallel_loop3A_298 = arith.constant 16 : i32
        %parallel_loop3A_299 = arith.addi %parallel_loop3A_293, %parallel_loop3A_298 : i32
        %parallel_loop3A_300 = arith.index_cast %parallel_loop3A_299 : i32 to index
        %parallel_loop3A_301 = tpu.vector_load %arg12[%parallel_loop3A_300] {strides = array<i32>} : memref<4096xf32, #tpu.memory_space<vmem>>, vector<16xf32>,
        %parallel_loop3A_302 = arith.constant 16 : i32
        %parallel_loop3A_303 = arith.addi %parallel_loop3A_293, %parallel_loop3A_302 : i32
        %parallel_loop3A_304 = arith.index_cast %parallel_loop3A_303 : i32 to index
        %parallel_loop3A_305 = tpu.vector_load %arg13[%parallel_loop3A_304] {strides = array<i32>} : memref<4096xf32, #tpu.memory_space<vmem>>, vector<16xf32>,
        %parallel_loop3A_306 = vector.broadcast %parallel_loop3A_293 : i32 to vector<16xi32>
        %parallel_loop3A_307 = arith.addi %iota3A, %parallel_loop3A_306 : vector<16xi32>
        %parallel_loop3A_308 = arith.constant 16 : i32
        %parallel_loop3A_309 = vector.broadcast %parallel_loop3A_308 : i32 to vector<16xi32>
        %parallel_loop3A_310 = arith.addi %parallel_loop3A_307, %parallel_loop3A_309 : vector<16xi32>
        %parallel_loop3A_311 = arith.cmpf ole, %parallel_loop3A_295, %add3A_87 : vector<16xf32>
        %parallel_loop3A_312 = arith.cmpf ole, %parallel_loop3A_297, %add3A_95 : vector<16xf32>
        %parallel_loop3A_313 = arith.cmpf ole, %parallel_loop3A_301, %add3A_87 : vector<16xf32>
        %parallel_loop3A_314 = arith.cmpf ole, %parallel_loop3A_305, %add3A_95 : vector<16xf32>
        %parallel_loop3A_315 = tpu.all_reduce %parallel_loop3A_311 {dim = 0 : i64, kind = #tpu.reduction_kind<sum>} : vector<16xi1> -> vector<16xi32>
        %parallel_loop3A_316 = tpu.all_reduce %parallel_loop3A_312 {dim = 0 : i64, kind = #tpu.reduction_kind<sum>} : vector<16xi1> -> vector<16xi32>
        %parallel_loop3A_317 = tpu.all_reduce %parallel_loop3A_313 {dim = 0 : i64, kind = #tpu.reduction_kind<sum>} : vector<16xi1> -> vector<16xi32>
        %parallel_loop3A_318 = tpu.all_reduce %parallel_loop3A_314 {dim = 0 : i64, kind = #tpu.reduction_kind<sum>} : vector<16xi1> -> vector<16xi32>
        %parallel_loop3A_319 = arith.constant 1 : i32
        %parallel_loop3A_320 = arith.constant 0 : i32
        %parallel_loop3A_321 = vector.broadcast %parallel_loop3A_319 : i32 to vector<16xi32>
        %parallel_loop3A_322 = vector.broadcast %parallel_loop3A_320 : i32 to vector<16xi32>
        %parallel_loop3A_323 = arith.select %parallel_loop3A_311, %parallel_loop3A_321, %parallel_loop3A_322 : vector<16xi1>, vector<16xi32>
        %parallel_loop3A_324 = arith.constant 256 : i32
        %parallel_loop3A_325 = arith.constant 0 : i32
        %parallel_loop3A_326 = vector.broadcast %parallel_loop3A_324 : i32 to vector<16xi32>
        %parallel_loop3A_327 = vector.broadcast %parallel_loop3A_325 : i32 to vector<16xi32>
        %parallel_loop3A_328 = arith.select %parallel_loop3A_312, %parallel_loop3A_326, %parallel_loop3A_327 : vector<16xi1>, vector<16xi32>
        %parallel_loop3A_329 = arith.addi %parallel_loop3A_323, %parallel_loop3A_328 : vector<16xi32>
        %parallel_loop3A_330 = arith.constant 65536 : i32
        %parallel_loop3A_331 = arith.constant 0 : i32
        %parallel_loop3A_332 = vector.broadcast %parallel_loop3A_330 : i32 to vector<16xi32>
        %parallel_loop3A_333 = vector.broadcast %parallel_loop3A_331 : i32 to vector<16xi32>
        %parallel_loop3A_334 = arith.select %parallel_loop3A_313, %parallel_loop3A_332, %parallel_loop3A_333 : vector<16xi1>, vector<16xi32>
        %parallel_loop3A_335 = arith.addi %parallel_loop3A_329, %parallel_loop3A_334 : vector<16xi32>
        %parallel_loop3A_336 = arith.constant 16777216 : i32
        %parallel_loop3A_337 = arith.constant 0 : i32
        %parallel_loop3A_338 = vector.broadcast %parallel_loop3A_336 : i32 to vector<16xi32>
        %parallel_loop3A_339 = vector.broadcast %parallel_loop3A_337 : i32 to vector<16xi32>
        %parallel_loop3A_340 = arith.select %parallel_loop3A_314, %parallel_loop3A_338, %parallel_loop3A_339 : vector<16xi1>, vector<16xi32>
        %parallel_loop3A_341 = arith.addi %parallel_loop3A_335, %parallel_loop3A_340 : vector<16xi32>
        %parallel_loop3A_342 = arith.constant true
        %parallel_loop3A_343 = vector.broadcast %parallel_loop3A_342 : i1 to vector<16xi1>
        %parallel_loop3A_344 = tpu.scan <sum>, %parallel_loop3A_341 masked %parallel_loop3A_343 : vector<16xi32>, vector<16xi1> -> vector<16xi32>
        %parallel_loop3A_345 = arith.constant 255 : i32
        %parallel_loop3A_346 = vector.broadcast %parallel_loop3A_345 : i32 to vector<16xi32>
        %parallel_loop3A_347 = arith.andi %parallel_loop3A_344, %parallel_loop3A_346 : vector<16xi32>
        %parallel_loop3A_348 = arith.addi %parallel_loop3A_288, %parallel_loop3A_347 : vector<16xi32>
        %parallel_loop3A_349 = arith.constant 1 : i32
        %parallel_loop3A_350 = vector.broadcast %parallel_loop3A_349 : i32 to vector<16xi32>
        %parallel_loop3A_351 = arith.subi %parallel_loop3A_348, %parallel_loop3A_350 : vector<16xi32>
        %parallel_loop3A_352 = arith.constant 8 : i32
        %parallel_loop3A_353 = vector.broadcast %parallel_loop3A_352 : i32 to vector<16xi32>
        %parallel_loop3A_354 = arith.shrsi %parallel_loop3A_344, %parallel_loop3A_353 : vector<16xi32>
        %parallel_loop3A_355 = arith.constant 255 : i32
        %parallel_loop3A_356 = vector.broadcast %parallel_loop3A_355 : i32 to vector<16xi32>
        %parallel_loop3A_357 = arith.andi %parallel_loop3A_354, %parallel_loop3A_356 : vector<16xi32>
        %parallel_loop3A_358 = arith.addi %parallel_loop3A_289, %parallel_loop3A_357 : vector<16xi32>
        %parallel_loop3A_359 = arith.constant 1 : i32
        %parallel_loop3A_360 = vector.broadcast %parallel_loop3A_359 : i32 to vector<16xi32>
        %parallel_loop3A_361 = arith.subi %parallel_loop3A_358, %parallel_loop3A_360 : vector<16xi32>
        %parallel_loop3A_362 = arith.addi %parallel_loop3A_288, %parallel_loop3A_315 : vector<16xi32>
        %parallel_loop3A_363 = arith.addi %parallel_loop3A_289, %parallel_loop3A_316 : vector<16xi32>
        %parallel_loop3A_364 = arith.constant 16 : i32
        %parallel_loop3A_365 = vector.broadcast %parallel_loop3A_364 : i32 to vector<16xi32>
        %parallel_loop3A_366 = arith.shrsi %parallel_loop3A_344, %parallel_loop3A_365 : vector<16xi32>
        %parallel_loop3A_367 = arith.constant 255 : i32
        %parallel_loop3A_368 = vector.broadcast %parallel_loop3A_367 : i32 to vector<16xi32>
        %parallel_loop3A_369 = arith.andi %parallel_loop3A_366, %parallel_loop3A_368 : vector<16xi32>
        %parallel_loop3A_370 = arith.addi %parallel_loop3A_362, %parallel_loop3A_369 : vector<16xi32>
        %parallel_loop3A_371 = arith.constant 1 : i32
        %parallel_loop3A_372 = vector.broadcast %parallel_loop3A_371 : i32 to vector<16xi32>
        %parallel_loop3A_373 = arith.subi %parallel_loop3A_370, %parallel_loop3A_372 : vector<16xi32>
        %parallel_loop3A_374 = arith.constant 24 : i32
        %parallel_loop3A_375 = vector.broadcast %parallel_loop3A_374 : i32 to vector<16xi32>
        %parallel_loop3A_376 = arith.shrsi %parallel_loop3A_344, %parallel_loop3A_375 : vector<16xi32>
        %parallel_loop3A_377 = arith.constant 255 : i32
        %parallel_loop3A_378 = vector.broadcast %parallel_loop3A_377 : i32 to vector<16xi32>
        %parallel_loop3A_379 = arith.andi %parallel_loop3A_376, %parallel_loop3A_378 : vector<16xi32>
        %parallel_loop3A_380 = arith.addi %parallel_loop3A_363, %parallel_loop3A_379 : vector<16xi32>
        %parallel_loop3A_381 = arith.constant 1 : i32
        %parallel_loop3A_382 = vector.broadcast %parallel_loop3A_381 : i32 to vector<16xi32>
        %parallel_loop3A_383 = arith.subi %parallel_loop3A_380, %parallel_loop3A_382 : vector<16xi32>
        tpu.vector_store_idx %arg8[%parallel_loop3A_351], %parallel_loop3A_295 masked %parallel_loop3A_311 : memref<4096xf32, #tpu.memory_space<vmem>>[vector<16xi32>], vector<16xf32>, vector<16xi1>
        tpu.vector_store_idx %arg9[%parallel_loop3A_351], %parallel_loop3A_307 masked %parallel_loop3A_311 : memref<4096xi32, #tpu.memory_space<vmem>>[vector<16xi32>], vector<16xi32>, vector<16xi1>
        tpu.vector_store_idx %arg10[%parallel_loop3A_361], %parallel_loop3A_297 masked %parallel_loop3A_312 : memref<4096xf32, #tpu.memory_space<vmem>>[vector<16xi32>], vector<16xf32>, vector<16xi1>
        tpu.vector_store_idx %arg11[%parallel_loop3A_361], %parallel_loop3A_307 masked %parallel_loop3A_312 : memref<4096xi32, #tpu.memory_space<vmem>>[vector<16xi32>], vector<16xi32>, vector<16xi1>
        tpu.vector_store_idx %arg8[%parallel_loop3A_373], %parallel_loop3A_301 masked %parallel_loop3A_313 : memref<4096xf32, #tpu.memory_space<vmem>>[vector<16xi32>], vector<16xf32>, vector<16xi1>
        tpu.vector_store_idx %arg9[%parallel_loop3A_373], %parallel_loop3A_310 masked %parallel_loop3A_313 : memref<4096xi32, #tpu.memory_space<vmem>>[vector<16xi32>], vector<16xi32>, vector<16xi1>
        tpu.vector_store_idx %arg10[%parallel_loop3A_383], %parallel_loop3A_305 masked %parallel_loop3A_314 : memref<4096xf32, #tpu.memory_space<vmem>>[vector<16xi32>], vector<16xf32>, vector<16xi1>
        tpu.vector_store_idx %arg11[%parallel_loop3A_383], %parallel_loop3A_310 masked %parallel_loop3A_314 : memref<4096xi32, #tpu.memory_space<vmem>>[vector<16xi32>], vector<16xi32>, vector<16xi1>
        %parallel_loop3A_384 = arith.addi %parallel_loop3A_362, %parallel_loop3A_317 : vector<16xi32>
        %parallel_loop3A_385 = arith.addi %parallel_loop3A_363, %parallel_loop3A_318 : vector<16xi32>
        scf.yield %parallel_loop3A_384, %parallel_loop3A_385 : vector<16xi32>, vector<16xi32>
      } {sc.loop_unroll_factor = 4 : i64, sc.parallel_access}
      %slice3A = vector.extract_strided_slice %parallel_loop3A_99#0 {offsets = [0], sizes = [1], strides = [1]} : vector<16xi32> to vector<1xi32>
      %squeeze3A = vector.extract %slice3A[0] : i32 from vector<1xi32>
      %add3A_100 = arith.constant 16 : i32
      %add3A_101 = arith.addi %squeeze3A, %add3A_100 : i32
      %sub3A_102 = arith.constant 1 : i32
      %sub3A_103 = arith.subi %add3A_101, %sub3A_102 : i32
      %jit3A_104 = arith.constant 16 : i32
      %div3A_105 = arith.divsi %sub3A_103, %jit3A_104 : i32
      %sign3A_106 = arith.constant 0 : i32
      %sign3A_107 = arith.cmpi sgt, %sub3A_103, %sign3A_106 : i32
      %sign3A_108 = arith.extui %sign3A_107 : i1 to i32
      %sign3A_109 = arith.constant 0 : i32
      %sign3A_110 = arith.cmpi slt, %sub3A_103, %sign3A_109 : i32
      %sign3A_111 = arith.extui %sign3A_110 : i1 to i32
      %sign3A_112 = arith.subi %sign3A_108, %sign3A_111 : i32
      %sign3A_113 = arith.constant 0 : i32
      %sign3A_114 = arith.cmpi sgt, %jit3A_104, %sign3A_113 : i32
      %sign3A_115 = arith.extui %sign3A_114 : i1 to i32
      %sign3A_116 = arith.constant 0 : i32
      %sign3A_117 = arith.cmpi slt, %jit3A_104, %sign3A_116 : i32
      %sign3A_118 = arith.extui %sign3A_117 : i1 to i32
      %sign3A_119 = arith.subi %sign3A_115, %sign3A_118 : i32
      %ne3A_120 = arith.cmpi ne, %sign3A_112, %sign3A_119 : i32
      %rem3A_121 = arith.remsi %sub3A_103, %jit3A_104 : i32
      %ne3A_122 = arith.constant 0 : i32
      %ne3A_123 = arith.cmpi ne, %rem3A_121, %ne3A_122 : i32
      %and3A_124 = arith.andi %ne3A_120, %ne3A_123 : i1
      %sub3A_125 = arith.constant 1 : i32
      %sub3A_126 = arith.subi %div3A_105, %sub3A_125 : i32
      %select_n3A_127 = arith.select %and3A_124, %sub3A_126, %div3A_105 : i32
      %while3A = arith.constant 0 : i32
      %while3A_128 = arith.subi %select_n3A_127, %while3A : i32
      %while3A_129 = arith.addi %while3A, %while3A_128 : i32
      %while3A_130 = arith.constant 1 : i32
      %while3A_131 = arith.divsi %while3A_128, %while3A_130 : i32
      %while3A_132 = arith.muli %while3A_131, %while3A_130 : i32
      %while3A_133 = arith.addi %while3A, %while3A_132 : i32
      %while3A_134 = arith.constant 1 : i32
      %while3A_135:2 = scf.for %while3A_287 = %while3A to %while3A_133 step %while3A_134 iter_args(%while3A_288 = %broadcast_in_dim3A_51, %while3A_289 = %broadcast_in_dim3A_53) -> (vector<16xf32>, vector<16xi32>)  : i32 {
        %mul3A_290 = arith.constant 16 : i32
        %mul3A_291 = arith.muli %while3A_287, %mul3A_290 : i32
        %sub3A_292 = arith.subi %squeeze3A, %mul3A_291 : i32
        %lt3A_293 = vector.broadcast %sub3A_292 : i32 to vector<16xi32>
        %lt3A_294 = arith.cmpi slt, %iota3A, %lt3A_293 : vector<16xi32>
        %mul3A_295 = arith.constant 16 : i32
        %mul3A_296 = arith.muli %while3A_287, %mul3A_295 : i32
        %get3A = arith.index_cast %mul3A_296 : i32 to index
        %get3A_297 = tpu.vector_load %arg8[%get3A] {strides = array<i32>} : memref<4096xf32, #tpu.memory_space<vmem>>, vector<16xf32>,
        %jit3A_298 = arith.constant 0x7F800000 : f32
        %broadcast_in_dim3A_299 = vector.broadcast %jit3A_298 : f32 to vector<16xf32>
        %select_n3A_300 = arith.select %lt3A_294, %get3A_297, %broadcast_in_dim3A_299 : vector<16xi1>, vector<16xf32>
        %mul3A_301 = arith.constant 16 : i32
        %mul3A_302 = arith.muli %while3A_287, %mul3A_301 : i32
        %get3A_303 = arith.index_cast %mul3A_302 : i32 to index
        %get3A_304 = tpu.vector_load %arg9[%get3A_303] {strides = array<i32>} : memref<4096xi32, #tpu.memory_space<vmem>>, vector<16xi32>,
        %masked_sort3A = arith.constant dense<true> : vector<16xi1>
        %masked_sort3A_305, %masked_sort3A_306, %masked_sort3A_307 = tpu.sort %select_n3A_300, %get3A_304 masked %masked_sort3A : (vector<16xf32>, vector<16xi32>, vector<16xi1>) -> (vector<16xi1>, vector<16xf32>, vector<16xi32>)
        %rev3A = arith.constant 15 : i32
        %rev3A_308 = vector.broadcast %rev3A : i32 to vector<16xi32>
        %rev3A_309 = tpu.iota {dimensions = array<i32: 0>} : vector<16xi32>
        %rev3A_310 = arith.subi %rev3A_308, %rev3A_309 : vector<16xi32>
        %rev3A_311 = tpu.dynamic_gather %masked_sort3A_306[%rev3A_310] in [0] : vector<16xf32>, vector<16xi32> -> vector<16xf32>
        %rev3A_312 = arith.constant 15 : i32
        %rev3A_313 = vector.broadcast %rev3A_312 : i32 to vector<16xi32>
        %rev3A_314 = tpu.iota {dimensions = array<i32: 0>} : vector<16xi32>
        %rev3A_315 = arith.subi %rev3A_313, %rev3A_314 : vector<16xi32>
        %rev3A_316 = tpu.dynamic_gather %masked_sort3A_307[%rev3A_315] in [0] : vector<16xi32>, vector<16xi32> -> vector<16xi32>
        %le3A = arith.cmpf ole, %while3A_288, %rev3A_311 : vector<16xf32>
        %select_n3A_317 = arith.select %le3A, %while3A_288, %rev3A_311 : vector<16xi1>, vector<16xf32>
        %select_n3A_318 = arith.select %le3A, %while3A_289, %rev3A_316 : vector<16xi1>, vector<16xi32>
        %masked_sort3A_319 = arith.constant dense<true> : vector<16xi1>
        %masked_sort3A_320, %masked_sort3A_321, %masked_sort3A_322 = tpu.sort %select_n3A_317, %select_n3A_318 masked %masked_sort3A_319 : (vector<16xf32>, vector<16xi32>, vector<16xi1>) -> (vector<16xi1>, vector<16xf32>, vector<16xi32>)
        scf.yield %masked_sort3A_321, %masked_sort3A_322 : vector<16xf32>, vector<16xi32>
      }
      %while3A_136 = arith.constant 1 : i32
      %while3A_137:2 = scf.for %while3A_287 = %while3A_133 to %while3A_129 step %while3A_136 iter_args(%while3A_288 = %while3A_135#0, %while3A_289 = %while3A_135#1) -> (vector<16xf32>, vector<16xi32>)  : i32 {
        %mul3A_290 = arith.constant 16 : i32
        %mul3A_291 = arith.muli %while3A_287, %mul3A_290 : i32
        %sub3A_292 = arith.subi %squeeze3A, %mul3A_291 : i32
        %lt3A_293 = vector.broadcast %sub3A_292 : i32 to vector<16xi32>
        %lt3A_294 = arith.cmpi slt, %iota3A, %lt3A_293 : vector<16xi32>
        %mul3A_295 = arith.constant 16 : i32
        %mul3A_296 = arith.muli %while3A_287, %mul3A_295 : i32
        %get3A = arith.index_cast %mul3A_296 : i32 to index
        %get3A_297 = tpu.vector_load %arg8[%get3A] {strides = array<i32>} : memref<4096xf32, #tpu.memory_space<vmem>>, vector<16xf32>,
        %jit3A_298 = arith.constant 0x7F800000 : f32
        %broadcast_in_dim3A_299 = vector.broadcast %jit3A_298 : f32 to vector<16xf32>
        %select_n3A_300 = arith.select %lt3A_294, %get3A_297, %broadcast_in_dim3A_299 : vector<16xi1>, vector<16xf32>
        %mul3A_301 = arith.constant 16 : i32
        %mul3A_302 = arith.muli %while3A_287, %mul3A_301 : i32
        %get3A_303 = arith.index_cast %mul3A_302 : i32 to index
        %get3A_304 = tpu.vector_load %arg9[%get3A_303] {strides = array<i32>} : memref<4096xi32, #tpu.memory_space<vmem>>, vector<16xi32>,
        %masked_sort3A = arith.constant dense<true> : vector<16xi1>
        %masked_sort3A_305, %masked_sort3A_306, %masked_sort3A_307 = tpu.sort %select_n3A_300, %get3A_304 masked %masked_sort3A : (vector<16xf32>, vector<16xi32>, vector<16xi1>) -> (vector<16xi1>, vector<16xf32>, vector<16xi32>)
        %rev3A = arith.constant 15 : i32
        %rev3A_308 = vector.broadcast %rev3A : i32 to vector<16xi32>
        %rev3A_309 = tpu.iota {dimensions = array<i32: 0>} : vector<16xi32>
        %rev3A_310 = arith.subi %rev3A_308, %rev3A_309 : vector<16xi32>
        %rev3A_311 = tpu.dynamic_gather %masked_sort3A_306[%rev3A_310] in [0] : vector<16xf32>, vector<16xi32> -> vector<16xf32>
        %rev3A_312 = arith.constant 15 : i32
        %rev3A_313 = vector.broadcast %rev3A_312 : i32 to vector<16xi32>
        %rev3A_314 = tpu.iota {dimensions = array<i32: 0>} : vector<16xi32>
        %rev3A_315 = arith.subi %rev3A_313, %rev3A_314 : vector<16xi32>
        %rev3A_316 = tpu.dynamic_gather %masked_sort3A_307[%rev3A_315] in [0] : vector<16xi32>, vector<16xi32> -> vector<16xi32>
        %le3A = arith.cmpf ole, %while3A_288, %rev3A_311 : vector<16xf32>
        %select_n3A_317 = arith.select %le3A, %while3A_288, %rev3A_311 : vector<16xi1>, vector<16xf32>
        %select_n3A_318 = arith.select %le3A, %while3A_289, %rev3A_316 : vector<16xi1>, vector<16xi32>
        %masked_sort3A_319 = arith.constant dense<true> : vector<16xi1>
        %masked_sort3A_320, %masked_sort3A_321, %masked_sort3A_322 = tpu.sort %select_n3A_317, %select_n3A_318 masked %masked_sort3A_319 : (vector<16xf32>, vector<16xi32>, vector<16xi1>) -> (vector<16xi1>, vector<16xf32>, vector<16xi32>)
        scf.yield %masked_sort3A_321, %masked_sort3A_322 : vector<16xf32>, vector<16xi32>
      }
      %slice3A_138 = vector.extract_strided_slice %parallel_loop3A_99#1 {offsets = [0], sizes = [1], strides = [1]} : vector<16xi32> to vector<1xi32>
      %squeeze3A_139 = vector.extract %slice3A_138[0] : i32 from vector<1xi32>
      %add3A_140 = arith.constant 16 : i32
      %add3A_141 = arith.addi %squeeze3A_139, %add3A_140 : i32
      %sub3A_142 = arith.constant 1 : i32
      %sub3A_143 = arith.subi %add3A_141, %sub3A_142 : i32
      %jit3A_144 = arith.constant 16 : i32
      %div3A_145 = arith.divsi %sub3A_143, %jit3A_144 : i32
      %sign3A_146 = arith.constant 0 : i32
      %sign3A_147 = arith.cmpi sgt, %sub3A_143, %sign3A_146 : i32
      %sign3A_148 = arith.extui %sign3A_147 : i1 to i32
      %sign3A_149 = arith.constant 0 : i32
      %sign3A_150 = arith.cmpi slt, %sub3A_143, %sign3A_149 : i32
      %sign3A_151 = arith.extui %sign3A_150 : i1 to i32
      %sign3A_152 = arith.subi %sign3A_148, %sign3A_151 : i32
      %sign3A_153 = arith.constant 0 : i32
      %sign3A_154 = arith.cmpi sgt, %jit3A_144, %sign3A_153 : i32
      %sign3A_155 = arith.extui %sign3A_154 : i1 to i32
      %sign3A_156 = arith.constant 0 : i32
      %sign3A_157 = arith.cmpi slt, %jit3A_144, %sign3A_156 : i32
      %sign3A_158 = arith.extui %sign3A_157 : i1 to i32
      %sign3A_159 = arith.subi %sign3A_155, %sign3A_158 : i32
      %ne3A_160 = arith.cmpi ne, %sign3A_152, %sign3A_159 : i32
      %rem3A_161 = arith.remsi %sub3A_143, %jit3A_144 : i32
      %ne3A_162 = arith.constant 0 : i32
      %ne3A_163 = arith.cmpi ne, %rem3A_161, %ne3A_162 : i32
      %and3A_164 = arith.andi %ne3A_160, %ne3A_163 : i1
      %sub3A_165 = arith.constant 1 : i32
      %sub3A_166 = arith.subi %div3A_145, %sub3A_165 : i32
      %select_n3A_167 = arith.select %and3A_164, %sub3A_166, %div3A_145 : i32
      %while3A_168 = arith.constant 0 : i32
      %while3A_169 = arith.subi %select_n3A_167, %while3A_168 : i32
      %while3A_170 = arith.addi %while3A_168, %while3A_169 : i32
      %while3A_171 = arith.constant 1 : i32
      %while3A_172 = arith.divsi %while3A_169, %while3A_171 : i32
      %while3A_173 = arith.muli %while3A_172, %while3A_171 : i32
      %while3A_174 = arith.addi %while3A_168, %while3A_173 : i32
      %while3A_175 = arith.constant 1 : i32
      %while3A_176:2 = scf.for %while3A_287 = %while3A_168 to %while3A_174 step %while3A_175 iter_args(%while3A_288 = %broadcast_in_dim3A_51, %while3A_289 = %broadcast_in_dim3A_53) -> (vector<16xf32>, vector<16xi32>)  : i32 {
        %mul3A_290 = arith.constant 16 : i32
        %mul3A_291 = arith.muli %while3A_287, %mul3A_290 : i32
        %sub3A_292 = arith.subi %squeeze3A_139, %mul3A_291 : i32
        %lt3A_293 = vector.broadcast %sub3A_292 : i32 to vector<16xi32>
        %lt3A_294 = arith.cmpi slt, %iota3A, %lt3A_293 : vector<16xi32>
        %mul3A_295 = arith.constant 16 : i32
        %mul3A_296 = arith.muli %while3A_287, %mul3A_295 : i32
        %get3A = arith.index_cast %mul3A_296 : i32 to index
        %get3A_297 = tpu.vector_load %arg10[%get3A] {strides = array<i32>} : memref<4096xf32, #tpu.memory_space<vmem>>, vector<16xf32>,
        %jit3A_298 = arith.constant 0x7F800000 : f32
        %broadcast_in_dim3A_299 = vector.broadcast %jit3A_298 : f32 to vector<16xf32>
        %select_n3A_300 = arith.select %lt3A_294, %get3A_297, %broadcast_in_dim3A_299 : vector<16xi1>, vector<16xf32>
        %mul3A_301 = arith.constant 16 : i32
        %mul3A_302 = arith.muli %while3A_287, %mul3A_301 : i32
        %get3A_303 = arith.index_cast %mul3A_302 : i32 to index
        %get3A_304 = tpu.vector_load %arg11[%get3A_303] {strides = array<i32>} : memref<4096xi32, #tpu.memory_space<vmem>>, vector<16xi32>,
        %masked_sort3A = arith.constant dense<true> : vector<16xi1>
        %masked_sort3A_305, %masked_sort3A_306, %masked_sort3A_307 = tpu.sort %select_n3A_300, %get3A_304 masked %masked_sort3A : (vector<16xf32>, vector<16xi32>, vector<16xi1>) -> (vector<16xi1>, vector<16xf32>, vector<16xi32>)
        %rev3A = arith.constant 15 : i32
        %rev3A_308 = vector.broadcast %rev3A : i32 to vector<16xi32>
        %rev3A_309 = tpu.iota {dimensions = array<i32: 0>} : vector<16xi32>
        %rev3A_310 = arith.subi %rev3A_308, %rev3A_309 : vector<16xi32>
        %rev3A_311 = tpu.dynamic_gather %masked_sort3A_306[%rev3A_310] in [0] : vector<16xf32>, vector<16xi32> -> vector<16xf32>
        %rev3A_312 = arith.constant 15 : i32
        %rev3A_313 = vector.broadcast %rev3A_312 : i32 to vector<16xi32>
        %rev3A_314 = tpu.iota {dimensions = array<i32: 0>} : vector<16xi32>
        %rev3A_315 = arith.subi %rev3A_313, %rev3A_314 : vector<16xi32>
        %rev3A_316 = tpu.dynamic_gather %masked_sort3A_307[%rev3A_315] in [0] : vector<16xi32>, vector<16xi32> -> vector<16xi32>
        %le3A = arith.cmpf ole, %while3A_288, %rev3A_311 : vector<16xf32>
        %select_n3A_317 = arith.select %le3A, %while3A_288, %rev3A_311 : vector<16xi1>, vector<16xf32>
        %select_n3A_318 = arith.select %le3A, %while3A_289, %rev3A_316 : vector<16xi1>, vector<16xi32>
        %masked_sort3A_319 = arith.constant dense<true> : vector<16xi1>
        %masked_sort3A_320, %masked_sort3A_321, %masked_sort3A_322 = tpu.sort %select_n3A_317, %select_n3A_318 masked %masked_sort3A_319 : (vector<16xf32>, vector<16xi32>, vector<16xi1>) -> (vector<16xi1>, vector<16xf32>, vector<16xi32>)
        scf.yield %masked_sort3A_321, %masked_sort3A_322 : vector<16xf32>, vector<16xi32>
      }
      %while3A_177 = arith.constant 1 : i32
      %while3A_178:2 = scf.for %while3A_287 = %while3A_174 to %while3A_170 step %while3A_177 iter_args(%while3A_288 = %while3A_176#0, %while3A_289 = %while3A_176#1) -> (vector<16xf32>, vector<16xi32>)  : i32 {
        %mul3A_290 = arith.constant 16 : i32
        %mul3A_291 = arith.muli %while3A_287, %mul3A_290 : i32
        %sub3A_292 = arith.subi %squeeze3A_139, %mul3A_291 : i32
        %lt3A_293 = vector.broadcast %sub3A_292 : i32 to vector<16xi32>
        %lt3A_294 = arith.cmpi slt, %iota3A, %lt3A_293 : vector<16xi32>
        %mul3A_295 = arith.constant 16 : i32
        %mul3A_296 = arith.muli %while3A_287, %mul3A_295 : i32
        %get3A = arith.index_cast %mul3A_296 : i32 to index
        %get3A_297 = tpu.vector_load %arg10[%get3A] {strides = array<i32>} : memref<4096xf32, #tpu.memory_space<vmem>>, vector<16xf32>,
        %jit3A_298 = arith.constant 0x7F800000 : f32
        %broadcast_in_dim3A_299 = vector.broadcast %jit3A_298 : f32 to vector<16xf32>
        %select_n3A_300 = arith.select %lt3A_294, %get3A_297, %broadcast_in_dim3A_299 : vector<16xi1>, vector<16xf32>
        %mul3A_301 = arith.constant 16 : i32
        %mul3A_302 = arith.muli %while3A_287, %mul3A_301 : i32
        %get3A_303 = arith.index_cast %mul3A_302 : i32 to index
        %get3A_304 = tpu.vector_load %arg11[%get3A_303] {strides = array<i32>} : memref<4096xi32, #tpu.memory_space<vmem>>, vector<16xi32>,
        %masked_sort3A = arith.constant dense<true> : vector<16xi1>
        %masked_sort3A_305, %masked_sort3A_306, %masked_sort3A_307 = tpu.sort %select_n3A_300, %get3A_304 masked %masked_sort3A : (vector<16xf32>, vector<16xi32>, vector<16xi1>) -> (vector<16xi1>, vector<16xf32>, vector<16xi32>)
        %rev3A = arith.constant 15 : i32
        %rev3A_308 = vector.broadcast %rev3A : i32 to vector<16xi32>
        %rev3A_309 = tpu.iota {dimensions = array<i32: 0>} : vector<16xi32>
        %rev3A_310 = arith.subi %rev3A_308, %rev3A_309 : vector<16xi32>
        %rev3A_311 = tpu.dynamic_gather %masked_sort3A_306[%rev3A_310] in [0] : vector<16xf32>, vector<16xi32> -> vector<16xf32>
        %rev3A_312 = arith.constant 15 : i32
        %rev3A_313 = vector.broadcast %rev3A_312 : i32 to vector<16xi32>
        %rev3A_314 = tpu.iota {dimensions = array<i32: 0>} : vector<16xi32>
        %rev3A_315 = arith.subi %rev3A_313, %rev3A_314 : vector<16xi32>
        %rev3A_316 = tpu.dynamic_gather %masked_sort3A_307[%rev3A_315] in [0] : vector<16xi32>, vector<16xi32> -> vector<16xi32>
        %le3A = arith.cmpf ole, %while3A_288, %rev3A_311 : vector<16xf32>
        %select_n3A_317 = arith.select %le3A, %while3A_288, %rev3A_311 : vector<16xi1>, vector<16xf32>
        %select_n3A_318 = arith.select %le3A, %while3A_289, %rev3A_316 : vector<16xi1>, vector<16xi32>
        %masked_sort3A_319 = arith.constant dense<true> : vector<16xi1>
        %masked_sort3A_320, %masked_sort3A_321, %masked_sort3A_322 = tpu.sort %select_n3A_317, %select_n3A_318 masked %masked_sort3A_319 : (vector<16xf32>, vector<16xi32>, vector<16xi1>) -> (vector<16xi1>, vector<16xf32>, vector<16xi32>)
        scf.yield %masked_sort3A_321, %masked_sort3A_322 : vector<16xf32>, vector<16xi32>
      }
      %mul3A_179 = arith.constant 2 : i32
      %mul3A_180 = arith.muli %mul3A_179, %scan3A_63 : i32
      %mul3A_181 = arith.constant 2 : i32
      %mul3A_182 = arith.muli %mul3A_181, %scan3A_63 : i32
      %add3A_183 = arith.constant 1 : i32
      %add3A_184 = arith.addi %mul3A_182, %add3A_183 : i32
      %gather3A_185 = tpu.vector_load_idx %arg4[%while3A_137#1] : memref<4096xf32, #tpu.memory_space<vmem>>[vector<16xi32>], vector<16xf32>,
      %gather3A_186 = tpu.vector_load_idx %arg5[%while3A_137#1] : memref<4096xf32, #tpu.memory_space<vmem>>[vector<16xi32>], vector<16xf32>,
      %gather3A_187 = tpu.vector_load_idx %arg6[%while3A_137#1] : memref<4096xf32, #tpu.memory_space<vmem>>[vector<16xi32>], vector<16xf32>,
      %reduce_sum3A = arith.constant true
      %reduce_sum3A_188 = vector.broadcast %reduce_sum3A : i1 to vector<16xi1>
      %reduce_sum3A_189 = tpu.scan <sum>, %gather3A_185 masked %reduce_sum3A_188 : vector<16xf32>, vector<16xi1> -> vector<16xf32>
      %reduce_sum3A_190 = vector.extract %reduce_sum3A_189[15] : f32 from vector<16xf32>
      %mul3A_191 = arith.constant 6.250000e-02 : f32
      %mul3A_192 = arith.mulf %reduce_sum3A_190, %mul3A_191 : f32
      %slice3A_193 = vector.extract_strided_slice %gather3A {offsets = [0], sizes = [1], strides = [1]} : vector<16xf32> to vector<1xf32>
      %squeeze3A_194 = vector.extract %slice3A_193[0] : f32 from vector<1xf32>
      %sub3A_195 = arith.subf %mul3A_192, %squeeze3A_194 : f32
      %reduce_sum3A_196 = arith.constant true
      %reduce_sum3A_197 = vector.broadcast %reduce_sum3A_196 : i1 to vector<16xi1>
      %reduce_sum3A_198 = tpu.scan <sum>, %gather3A_186 masked %reduce_sum3A_197 : vector<16xf32>, vector<16xi1> -> vector<16xf32>
      %reduce_sum3A_199 = vector.extract %reduce_sum3A_198[15] : f32 from vector<16xf32>
      %mul3A_200 = arith.constant 6.250000e-02 : f32
      %mul3A_201 = arith.mulf %reduce_sum3A_199, %mul3A_200 : f32
      %slice3A_202 = vector.extract_strided_slice %gather3A_73 {offsets = [0], sizes = [1], strides = [1]} : vector<16xf32> to vector<1xf32>
      %squeeze3A_203 = vector.extract %slice3A_202[0] : f32 from vector<1xf32>
      %sub3A_204 = arith.subf %mul3A_201, %squeeze3A_203 : f32
      %reduce_sum3A_205 = arith.constant true
      %reduce_sum3A_206 = vector.broadcast %reduce_sum3A_205 : i1 to vector<16xi1>
      %reduce_sum3A_207 = tpu.scan <sum>, %gather3A_187 masked %reduce_sum3A_206 : vector<16xf32>, vector<16xi1> -> vector<16xf32>
      %reduce_sum3A_208 = vector.extract %reduce_sum3A_207[15] : f32 from vector<16xf32>
      %mul3A_209 = arith.constant 6.250000e-02 : f32
      %mul3A_210 = arith.mulf %reduce_sum3A_208, %mul3A_209 : f32
      %slice3A_211 = vector.extract_strided_slice %gather3A_74 {offsets = [0], sizes = [1], strides = [1]} : vector<16xf32> to vector<1xf32>
      %squeeze3A_212 = vector.extract %slice3A_211[0] : f32 from vector<1xf32>
      %sub3A_213 = arith.subf %mul3A_210, %squeeze3A_212 : f32
      %eq3A_214 = arith.constant 0 : i32
      %eq3A_215 = vector.broadcast %eq3A_214 : i32 to vector<16xi32>
      %eq3A_216 = arith.cmpi eq, %iota3A, %eq3A_215 : vector<16xi32>
      %eq3A_217 = arith.constant 1 : i32
      %eq3A_218 = vector.broadcast %eq3A_217 : i32 to vector<16xi32>
      %eq3A_219 = arith.cmpi eq, %iota3A, %eq3A_218 : vector<16xi32>
      %broadcast_in_dim3A_220 = vector.broadcast %sub3A_204 : f32 to vector<16xf32>
      %broadcast_in_dim3A_221 = vector.broadcast %sub3A_213 : f32 to vector<16xf32>
      %select_n3A_222 = arith.select %eq3A_219, %broadcast_in_dim3A_220, %broadcast_in_dim3A_221 : vector<16xi1>, vector<16xf32>
      %broadcast_in_dim3A_223 = vector.broadcast %sub3A_195 : f32 to vector<16xf32>
      %select_n3A_224 = arith.select %eq3A_216, %broadcast_in_dim3A_223, %select_n3A_222 : vector<16xi1>, vector<16xf32>
      %min3A = arith.constant 2 : i32
      %min3A_225 = vector.broadcast %min3A : i32 to vector<16xi32>
      %min3A_226 = arith.minsi %iota3A, %min3A_225 : vector<16xi32>
      %mul3A_227 = arith.constant 512 : i32
      %mul3A_228 = vector.broadcast %mul3A_227 : i32 to vector<16xi32>
      %mul3A_229 = arith.muli %mul3A_228, %min3A_226 : vector<16xi32>
      %add3A_230 = vector.broadcast %mul3A_180 : i32 to vector<16xi32>
      %add3A_231 = arith.addi %add3A_230, %mul3A_229 : vector<16xi32>
      %lt3A_232 = arith.constant 3 : i32
      %lt3A_233 = vector.broadcast %lt3A_232 : i32 to vector<16xi32>
      %lt3A_234 = arith.cmpi slt, %iota3A, %lt3A_233 : vector<16xi32>
      tpu.vector_store_idx %arg7[%add3A_231], %select_n3A_224 masked %lt3A_234 : memref<1536xf32, #tpu.memory_space<vmem>>[vector<16xi32>], vector<16xf32>, vector<16xi1>
      %gather3A_235 = tpu.vector_load_idx %arg4[%while3A_178#1] : memref<4096xf32, #tpu.memory_space<vmem>>[vector<16xi32>], vector<16xf32>,
      %gather3A_236 = tpu.vector_load_idx %arg5[%while3A_178#1] : memref<4096xf32, #tpu.memory_space<vmem>>[vector<16xi32>], vector<16xf32>,
      %gather3A_237 = tpu.vector_load_idx %arg6[%while3A_178#1] : memref<4096xf32, #tpu.memory_space<vmem>>[vector<16xi32>], vector<16xf32>,
      %reduce_sum3A_238 = arith.constant true
      %reduce_sum3A_239 = vector.broadcast %reduce_sum3A_238 : i1 to vector<16xi1>
      %reduce_sum3A_240 = tpu.scan <sum>, %gather3A_235 masked %reduce_sum3A_239 : vector<16xf32>, vector<16xi1> -> vector<16xf32>
      %reduce_sum3A_241 = vector.extract %reduce_sum3A_240[15] : f32 from vector<16xf32>
      %mul3A_242 = arith.constant 6.250000e-02 : f32
      %mul3A_243 = arith.mulf %reduce_sum3A_241, %mul3A_242 : f32
      %slice3A_244 = vector.extract_strided_slice %gather3A_75 {offsets = [0], sizes = [1], strides = [1]} : vector<16xf32> to vector<1xf32>
      %squeeze3A_245 = vector.extract %slice3A_244[0] : f32 from vector<1xf32>
      %sub3A_246 = arith.subf %mul3A_243, %squeeze3A_245 : f32
      %reduce_sum3A_247 = arith.constant true
      %reduce_sum3A_248 = vector.broadcast %reduce_sum3A_247 : i1 to vector<16xi1>
      %reduce_sum3A_249 = tpu.scan <sum>, %gather3A_236 masked %reduce_sum3A_248 : vector<16xf32>, vector<16xi1> -> vector<16xf32>
      %reduce_sum3A_250 = vector.extract %reduce_sum3A_249[15] : f32 from vector<16xf32>
      %mul3A_251 = arith.constant 6.250000e-02 : f32
      %mul3A_252 = arith.mulf %reduce_sum3A_250, %mul3A_251 : f32
      %slice3A_253 = vector.extract_strided_slice %gather3A_76 {offsets = [0], sizes = [1], strides = [1]} : vector<16xf32> to vector<1xf32>
      %squeeze3A_254 = vector.extract %slice3A_253[0] : f32 from vector<1xf32>
      %sub3A_255 = arith.subf %mul3A_252, %squeeze3A_254 : f32
      %reduce_sum3A_256 = arith.constant true
      %reduce_sum3A_257 = vector.broadcast %reduce_sum3A_256 : i1 to vector<16xi1>
      %reduce_sum3A_258 = tpu.scan <sum>, %gather3A_237 masked %reduce_sum3A_257 : vector<16xf32>, vector<16xi1> -> vector<16xf32>
      %reduce_sum3A_259 = vector.extract %reduce_sum3A_258[15] : f32 from vector<16xf32>
      %mul3A_260 = arith.constant 6.250000e-02 : f32
      %mul3A_261 = arith.mulf %reduce_sum3A_259, %mul3A_260 : f32
      %slice3A_262 = vector.extract_strided_slice %gather3A_77 {offsets = [0], sizes = [1], strides = [1]} : vector<16xf32> to vector<1xf32>
      %squeeze3A_263 = vector.extract %slice3A_262[0] : f32 from vector<1xf32>
      %sub3A_264 = arith.subf %mul3A_261, %squeeze3A_263 : f32
      %eq3A_265 = arith.constant 0 : i32
      %eq3A_266 = vector.broadcast %eq3A_265 : i32 to vector<16xi32>
      %eq3A_267 = arith.cmpi eq, %iota3A, %eq3A_266 : vector<16xi32>
      %eq3A_268 = arith.constant 1 : i32
      %eq3A_269 = vector.broadcast %eq3A_268 : i32 to vector<16xi32>
      %eq3A_270 = arith.cmpi eq, %iota3A, %eq3A_269 : vector<16xi32>
      %broadcast_in_dim3A_271 = vector.broadcast %sub3A_255 : f32 to vector<16xf32>
      %broadcast_in_dim3A_272 = vector.broadcast %sub3A_264 : f32 to vector<16xf32>
      %select_n3A_273 = arith.select %eq3A_270, %broadcast_in_dim3A_271, %broadcast_in_dim3A_272 : vector<16xi1>, vector<16xf32>
      %broadcast_in_dim3A_274 = vector.broadcast %sub3A_246 : f32 to vector<16xf32>
      %select_n3A_275 = arith.select %eq3A_267, %broadcast_in_dim3A_274, %select_n3A_273 : vector<16xi1>, vector<16xf32>
      %min3A_276 = arith.constant 2 : i32
      %min3A_277 = vector.broadcast %min3A_276 : i32 to vector<16xi32>
      %min3A_278 = arith.minsi %iota3A, %min3A_277 : vector<16xi32>
      %mul3A_279 = arith.constant 512 : i32
      %mul3A_280 = vector.broadcast %mul3A_279 : i32 to vector<16xi32>
      %mul3A_281 = arith.muli %mul3A_280, %min3A_278 : vector<16xi32>
      %add3A_282 = vector.broadcast %add3A_184 : i32 to vector<16xi32>
      %add3A_283 = arith.addi %add3A_282, %mul3A_281 : vector<16xi32>
      %lt3A_284 = arith.constant 3 : i32
      %lt3A_285 = vector.broadcast %lt3A_284 : i32 to vector<16xi32>
      %lt3A_286 = arith.cmpi slt, %iota3A, %lt3A_285 : vector<16xi32>
      tpu.vector_store_idx %arg7[%add3A_283], %select_n3A_275 masked %lt3A_286 : memref<1536xf32, #tpu.memory_space<vmem>>[vector<16xi32>], vector<16xf32>, vector<16xi1>
    }
    %scan3A_58 = arith.constant 256 : i32
    %mul3A_59 = arith.constant 3 : i32
    %mul3A_60 = arith.muli %add3A, %mul3A_59 : i32
    %mul3A_61 = arith.constant 512 : i32
    %mul3A_62 = arith.muli %mul3A_60, %mul3A_61 : i32
    "tpu.region"() ({
      %run_scoped3A = tpu.sem_alloc : memref<!tpu.dma_semaphore, #tpu.memory_space<semaphore_mem>>
      %dma_start3A = tpu.memref_slice %arg3[%mul3A_62] : memref<49152xf32, #tpu.memory_space<hbm>> -> memref<1536xf32, #tpu.memory_space<hbm>>
      %dma_start3A_63 = tpu.memref_slice %arg3[%mul3A_62] : memref<49152xf32, #tpu.memory_space<hbm>> -> memref<1536xf32, #tpu.memory_space<hbm>>
      tpu.enqueue_dma source(%arg7 : memref<1536xf32, #tpu.memory_space<vmem>>) target(%dma_start3A_63 : memref<1536xf32, #tpu.memory_space<hbm>>) target_semaphore(%run_scoped3A : memref<!tpu.dma_semaphore, #tpu.memory_space<semaphore_mem>>)
      %dma_wait3A = tpu.memref_slice %arg3[%mul3A_62] : memref<49152xf32, #tpu.memory_space<hbm>> -> memref<1536xf32, #tpu.memory_space<hbm>>
      %dma_wait3A_64 = tpu.memref_slice %arg3[%mul3A_62] : memref<49152xf32, #tpu.memory_space<hbm>> -> memref<1536xf32, #tpu.memory_space<hbm>>
      tpu.wait_dma2 semaphore(%run_scoped3A : memref<!tpu.dma_semaphore, #tpu.memory_space<semaphore_mem>>) src(%arg7 : memref<1536xf32, #tpu.memory_space<vmem>>) dst(%dma_wait3A_64 : memref<1536xf32, #tpu.memory_space<hbm>>)
      tpu.yield
    }) : () -> ()
    return
  }
}

module attributes {stable_mosaic.version = 14 : i64} {
  func.func @_mlp_body(%arg0: i32, %arg1: memref<512x8xf32, #tpu.memory_space<vmem>>, %arg2: memref<1x1x16xf32, #tpu.memory_space<vmem>>, %arg3: memref<8x64xf32, #tpu.memory_space<vmem>>, %arg4: memref<1x64xf32, #tpu.memory_space<vmem>>, %arg5: memref<64x128xf32, #tpu.memory_space<vmem>>, %arg6: memref<1x128xf32, #tpu.memory_space<vmem>>, %arg7: memref<16x128xf32, #tpu.memory_space<vmem>>, %arg8: memref<1x128xf32, #tpu.memory_space<vmem>>, %arg9: memref<16x128xf32, #tpu.memory_space<vmem>>, %arg10: memref<1x128xf32, #tpu.memory_space<vmem>>, %arg11: memref<128x32xf32, #tpu.memory_space<vmem>>, %arg12: memref<1x32xf32, #tpu.memory_space<vmem>>, %arg13: memref<512x32xf32, #tpu.memory_space<vmem>>) attributes {dimension_semantics = [#tpu.dimension_semantics<arbitrary>], iteration_bounds = array<i64: 32>, scalar_prefetch = 0 : i64, scratch_operands = 0 : i64, tpu.core_type = #tpu.core_type<tc>, window_params = [{transform_indices = @transform_0, window_bounds = array<i64: 512, 8>}, {transform_indices = @transform_1, window_bounds = array<i64: 1, 1, 16>}, {pipeline_mode = #tpu.pipeline_mode<synchronous>, transform_indices = @transform_2, window_bounds = array<i64: 8, 64>}, {pipeline_mode = #tpu.pipeline_mode<synchronous>, transform_indices = @transform_3, window_bounds = array<i64: 1, 64>}, {pipeline_mode = #tpu.pipeline_mode<synchronous>, transform_indices = @transform_4, window_bounds = array<i64: 64, 128>}, {pipeline_mode = #tpu.pipeline_mode<synchronous>, transform_indices = @transform_5, window_bounds = array<i64: 1, 128>}, {pipeline_mode = #tpu.pipeline_mode<synchronous>, transform_indices = @transform_6, window_bounds = array<i64: 16, 128>}, {pipeline_mode = #tpu.pipeline_mode<synchronous>, transform_indices = @transform_7, window_bounds = array<i64: 1, 128>}, {pipeline_mode = #tpu.pipeline_mode<synchronous>, transform_indices = @transform_8, window_bounds = array<i64: 16, 128>}, {pipeline_mode = #tpu.pipeline_mode<synchronous>, transform_indices = @transform_9, window_bounds = array<i64: 1, 128>}, {pipeline_mode = #tpu.pipeline_mode<synchronous>, transform_indices = @transform_10, window_bounds = array<i64: 128, 32>}, {pipeline_mode = #tpu.pipeline_mode<synchronous>, transform_indices = @transform_11, window_bounds = array<i64: 1, 32>}, {transform_indices = @transform_12, window_bounds = array<i64: 512, 32>}]} {
    %get3A = arith.constant 0 : index
    %get3A_0 = arith.constant 0 : index
    %get3A_1 = vector.load %arg1[%get3A, %get3A_0] : memref<512x8xf32, #tpu.memory_space<vmem>>, vector<512x8xf32>
    %get3A_2 = arith.constant 0 : index
    %get3A_3 = arith.constant 0 : index
    %get3A_4 = vector.load %arg3[%get3A_2, %get3A_3] : memref<8x64xf32, #tpu.memory_space<vmem>>, vector<8x64xf32>
    %dot_general3A = arith.constant dense<0.000000e+00> : vector<512x64xf32>
    %dot_general3A_5 = tpu.matmul %get3A_1, %get3A_4, %dot_general3A {dimension_numbers = #tpu.dot_dimension_numbers<[1], [0], [0], [1], [0, 0, 1, 1], [], []>, transpose_lhs_hint = false} : vector<512x8xf32>, vector<8x64xf32>, vector<512x64xf32> -> vector<512x64xf32>
    %get3A_6 = arith.constant 0 : index
    %get3A_7 = arith.constant 0 : index
    %get3A_8 = vector.load %arg4[%get3A_6, %get3A_7] : memref<1x64xf32, #tpu.memory_space<vmem>>, vector<1x64xf32>
    %add3A = vector.broadcast %get3A_8 : vector<1x64xf32> to vector<512x64xf32>
    %add3A_9 = arith.addf %dot_general3A_5, %add3A : vector<512x64xf32>
    %max3A = arith.constant 0.000000e+00 : f32
    %max3A_10 = vector.broadcast %max3A : f32 to vector<512x64xf32>
    %max3A_11 = arith.maximumf %add3A_9, %max3A_10 : vector<512x64xf32>
    %get3A_12 = arith.constant 0 : index
    %get3A_13 = arith.constant 0 : index
    %get3A_14 = vector.load %arg5[%get3A_12, %get3A_13] : memref<64x128xf32, #tpu.memory_space<vmem>>, vector<64x128xf32>
    %dot_general3A_15 = arith.constant dense<0.000000e+00> : vector<512x128xf32>
    %dot_general3A_16 = tpu.matmul %max3A_11, %get3A_14, %dot_general3A_15 {dimension_numbers = #tpu.dot_dimension_numbers<[1], [0], [0], [1], [0, 0, 1, 1], [], []>, transpose_lhs_hint = false} : vector<512x64xf32>, vector<64x128xf32>, vector<512x128xf32> -> vector<512x128xf32>
    %get3A_17 = arith.constant 0 : index
    %get3A_18 = arith.constant 0 : index
    %get3A_19 = vector.load %arg6[%get3A_17, %get3A_18] : memref<1x128xf32, #tpu.memory_space<vmem>>, vector<1x128xf32>
    %add3A_20 = vector.broadcast %get3A_19 : vector<1x128xf32> to vector<512x128xf32>
    %add3A_21 = arith.addf %dot_general3A_16, %add3A_20 : vector<512x128xf32>
    %max3A_22 = arith.constant 0.000000e+00 : f32
    %max3A_23 = vector.broadcast %max3A_22 : f32 to vector<512x128xf32>
    %max3A_24 = arith.maximumf %add3A_21, %max3A_23 : vector<512x128xf32>
    %get3A_25 = arith.constant 0 : index
    %get3A_26 = arith.constant 0 : index
    %get3A_27 = arith.constant 0 : index
    %get3A_28 = vector.load %arg2[%get3A_25, %get3A_26, %get3A_27] : memref<1x1x16xf32, #tpu.memory_space<vmem>>, vector<1x1x16xf32>
    %get3A_29 = vector.shape_cast %get3A_28 : vector<1x1x16xf32> to vector<1x16xf32>
    %get3A_30 = arith.constant 0 : index
    %get3A_31 = arith.constant 0 : index
    %get3A_32 = vector.load %arg7[%get3A_30, %get3A_31] : memref<16x128xf32, #tpu.memory_space<vmem>>, vector<16x128xf32>
    %dot_general3A_33 = arith.constant dense<0.000000e+00> : vector<1x128xf32>
    %dot_general3A_34 = tpu.matmul %get3A_29, %get3A_32, %dot_general3A_33 {dimension_numbers = #tpu.dot_dimension_numbers<[1], [0], [0], [1], [0, 0, 1, 1], [], []>, transpose_lhs_hint = false} : vector<1x16xf32>, vector<16x128xf32>, vector<1x128xf32> -> vector<1x128xf32>
    %get3A_35 = arith.constant 0 : index
    %get3A_36 = arith.constant 0 : index
    %get3A_37 = vector.load %arg8[%get3A_35, %get3A_36] : memref<1x128xf32, #tpu.memory_space<vmem>>, vector<1x128xf32>
    %add3A_38 = arith.addf %dot_general3A_34, %get3A_37 : vector<1x128xf32>
    %get3A_39 = arith.constant 0 : index
    %get3A_40 = arith.constant 0 : index
    %get3A_41 = vector.load %arg9[%get3A_39, %get3A_40] : memref<16x128xf32, #tpu.memory_space<vmem>>, vector<16x128xf32>
    %dot_general3A_42 = arith.constant dense<0.000000e+00> : vector<1x128xf32>
    %dot_general3A_43 = tpu.matmul %get3A_29, %get3A_41, %dot_general3A_42 {dimension_numbers = #tpu.dot_dimension_numbers<[1], [0], [0], [1], [0, 0, 1, 1], [], []>, transpose_lhs_hint = false} : vector<1x16xf32>, vector<16x128xf32>, vector<1x128xf32> -> vector<1x128xf32>
    %get3A_44 = arith.constant 0 : index
    %get3A_45 = arith.constant 0 : index
    %get3A_46 = vector.load %arg10[%get3A_44, %get3A_45] : memref<1x128xf32, #tpu.memory_space<vmem>>, vector<1x128xf32>
    %add3A_47 = arith.addf %dot_general3A_43, %get3A_46 : vector<1x128xf32>
    %mul3A = vector.broadcast %add3A_38 : vector<1x128xf32> to vector<512x128xf32>
    %mul3A_48 = arith.mulf %mul3A, %max3A_24 : vector<512x128xf32>
    %add3A_49 = vector.broadcast %add3A_47 : vector<1x128xf32> to vector<512x128xf32>
    %add3A_50 = arith.addf %mul3A_48, %add3A_49 : vector<512x128xf32>
    %get3A_51 = arith.constant 0 : index
    %get3A_52 = arith.constant 0 : index
    %get3A_53 = vector.load %arg11[%get3A_51, %get3A_52] : memref<128x32xf32, #tpu.memory_space<vmem>>, vector<128x32xf32>
    %dot_general3A_54 = arith.constant dense<0.000000e+00> : vector<512x32xf32>
    %dot_general3A_55 = tpu.matmul %add3A_50, %get3A_53, %dot_general3A_54 {dimension_numbers = #tpu.dot_dimension_numbers<[1], [0], [0], [1], [0, 0, 1, 1], [], []>, transpose_lhs_hint = false} : vector<512x128xf32>, vector<128x32xf32>, vector<512x32xf32> -> vector<512x32xf32>
    %get3A_56 = arith.constant 0 : index
    %get3A_57 = arith.constant 0 : index
    %get3A_58 = vector.load %arg12[%get3A_56, %get3A_57] : memref<1x32xf32, #tpu.memory_space<vmem>>, vector<1x32xf32>
    %add3A_59 = vector.broadcast %get3A_58 : vector<1x32xf32> to vector<512x32xf32>
    %add3A_60 = arith.addf %dot_general3A_55, %add3A_59 : vector<512x32xf32>
    %max3A_61 = arith.constant 0.000000e+00 : f32
    %max3A_62 = vector.broadcast %max3A_61 : f32 to vector<512x32xf32>
    %max3A_63 = arith.maximumf %add3A_60, %max3A_62 : vector<512x32xf32>
    %swap3A = arith.constant 0 : index
    %swap3A_64 = arith.constant 0 : index
    %swap3A_65 = vector.load %arg13[%swap3A, %swap3A_64] : memref<512x32xf32, #tpu.memory_space<vmem>>, vector<512x32xf32>
    tpu.vector_store %arg13[%swap3A, %swap3A_64], %max3A_63 {strides = array<i32>} : memref<512x32xf32, #tpu.memory_space<vmem>>, vector<512x32xf32>,
    return
  }
  func.func @transform_0(%arg0: i32) -> (i32, i32) {
    %c0_i32 = arith.constant 0 : i32
    %c0_i32_0 = arith.constant 0 : i32
    return %arg0, %c0_i32 : i32, i32
  }
  func.func @transform_1(%arg0: i32) -> (i32, i32, i32) {
    %jit3A = arith.constant 8 : i32
    %div3A = arith.divsi %arg0, %jit3A : i32
    %sign3A = arith.constant 0 : i32
    %sign3A_0 = arith.cmpi sgt, %arg0, %sign3A : i32
    %sign3A_1 = arith.extui %sign3A_0 : i1 to i32
    %sign3A_2 = arith.constant 0 : i32
    %sign3A_3 = arith.cmpi slt, %arg0, %sign3A_2 : i32
    %sign3A_4 = arith.extui %sign3A_3 : i1 to i32
    %sign3A_5 = arith.subi %sign3A_1, %sign3A_4 : i32
    %sign3A_6 = arith.constant 0 : i32
    %sign3A_7 = arith.cmpi sgt, %jit3A, %sign3A_6 : i32
    %sign3A_8 = arith.extui %sign3A_7 : i1 to i32
    %sign3A_9 = arith.constant 0 : i32
    %sign3A_10 = arith.cmpi slt, %jit3A, %sign3A_9 : i32
    %sign3A_11 = arith.extui %sign3A_10 : i1 to i32
    %sign3A_12 = arith.subi %sign3A_8, %sign3A_11 : i32
    %ne3A = arith.cmpi ne, %sign3A_5, %sign3A_12 : i32
    %rem3A = arith.remsi %arg0, %jit3A : i32
    %ne3A_13 = arith.constant 0 : i32
    %ne3A_14 = arith.cmpi ne, %rem3A, %ne3A_13 : i32
    %and3A = arith.andi %ne3A, %ne3A_14 : i1
    %sub3A = arith.constant 1 : i32
    %sub3A_15 = arith.subi %div3A, %sub3A : i32
    %select_n3A = arith.select %and3A, %sub3A_15, %div3A : i32
    %c0_i32 = arith.constant 0 : i32
    %c0_i32_16 = arith.constant 0 : i32
    %c0_i32_17 = arith.constant 0 : i32
    return %select_n3A, %c0_i32, %c0_i32_16 : i32, i32, i32
  }
  func.func @transform_2(%arg0: i32) -> (i32, i32) {
    %c0_i32 = arith.constant 0 : i32
    %c0_i32_0 = arith.constant 0 : i32
    %c0_i32_1 = arith.constant 0 : i32
    return %c0_i32, %c0_i32_0 : i32, i32
  }
  func.func @transform_3(%arg0: i32) -> (i32, i32) {
    %c0_i32 = arith.constant 0 : i32
    %c0_i32_0 = arith.constant 0 : i32
    %c0_i32_1 = arith.constant 0 : i32
    return %c0_i32, %c0_i32_0 : i32, i32
  }
  func.func @transform_4(%arg0: i32) -> (i32, i32) {
    %c0_i32 = arith.constant 0 : i32
    %c0_i32_0 = arith.constant 0 : i32
    %c0_i32_1 = arith.constant 0 : i32
    return %c0_i32, %c0_i32_0 : i32, i32
  }
  func.func @transform_5(%arg0: i32) -> (i32, i32) {
    %c0_i32 = arith.constant 0 : i32
    %c0_i32_0 = arith.constant 0 : i32
    %c0_i32_1 = arith.constant 0 : i32
    return %c0_i32, %c0_i32_0 : i32, i32
  }
  func.func @transform_6(%arg0: i32) -> (i32, i32) {
    %c0_i32 = arith.constant 0 : i32
    %c0_i32_0 = arith.constant 0 : i32
    %c0_i32_1 = arith.constant 0 : i32
    return %c0_i32, %c0_i32_0 : i32, i32
  }
  func.func @transform_7(%arg0: i32) -> (i32, i32) {
    %c0_i32 = arith.constant 0 : i32
    %c0_i32_0 = arith.constant 0 : i32
    %c0_i32_1 = arith.constant 0 : i32
    return %c0_i32, %c0_i32_0 : i32, i32
  }
  func.func @transform_8(%arg0: i32) -> (i32, i32) {
    %c0_i32 = arith.constant 0 : i32
    %c0_i32_0 = arith.constant 0 : i32
    %c0_i32_1 = arith.constant 0 : i32
    return %c0_i32, %c0_i32_0 : i32, i32
  }
  func.func @transform_9(%arg0: i32) -> (i32, i32) {
    %c0_i32 = arith.constant 0 : i32
    %c0_i32_0 = arith.constant 0 : i32
    %c0_i32_1 = arith.constant 0 : i32
    return %c0_i32, %c0_i32_0 : i32, i32
  }
  func.func @transform_10(%arg0: i32) -> (i32, i32) {
    %c0_i32 = arith.constant 0 : i32
    %c0_i32_0 = arith.constant 0 : i32
    %c0_i32_1 = arith.constant 0 : i32
    return %c0_i32, %c0_i32_0 : i32, i32
  }
  func.func @transform_11(%arg0: i32) -> (i32, i32) {
    %c0_i32 = arith.constant 0 : i32
    %c0_i32_0 = arith.constant 0 : i32
    %c0_i32_1 = arith.constant 0 : i32
    return %c0_i32, %c0_i32_0 : i32, i32
  }
  func.func @transform_12(%arg0: i32) -> (i32, i32) {
    %c0_i32 = arith.constant 0 : i32
    %c0_i32_0 = arith.constant 0 : i32
    return %arg0, %c0_i32 : i32, i32
  }
}

</mosaic_0001>

<sc_bundles>
// kernel: kernel.4.cloned.1.call-start
scs
__scs_entry_jumppad:
0x0: {  	(pc) =	sbr.rel $0x88, $3  }
0x1: {  	(tag) =	ssettag $0x0;
	lr =	simm.s32 $0x1  }
0x2: {  	[smem:$0x3F95] =	sst lr;
	_ =	strace $0xD0000000  }
0x3: {  	_ = 	snop  }
0x4: {  	_ = 	snop  }
0x5: {  	_ = 	snop  }
0x6: {  	_ = 	snop  }
0x7: {  	_ = 	snop  }
__scs_overlays_trampoline_lowered:
0x8: {  	[smem:$0x3FA4] =	sst s0  }
0x9: {  	[smem:$0x3FA5] =	sst s1  }
0xa: {  	[smem:$0x3FA6] =	sst s2  }
0xb: {  	[smem:$0x3FA7] =	sst s3  }
0xc: {  	[smem:$0x3FA8] =	sst s4  }
0xd: {  	[smem:$0x3FA9] =	sst s5  }
0xe: {  	[smem:$0x3FAA] =	sst s6  }
0xf: {  	[smem:$0x3FAB] =	sst s7  }
0x10: {  	[smem:$0x3FAC] =	sst s8  }
0x11: {  	[smem:$0x3FAD] =	sst s9;
	s0 =	simm.s32 @!p0 $0x0  }
0x12: {  	s1 =	sld [smem:$0x3F93];
	s0 =	simm.s32 @p0 $0x1  }
0x13: {  	[smem:$0x3FAE] =	sst s0;
	s0 =	simm.s32 @!p1 $0x0  }
0x14: {  	s2 =	sld [smem:$0x3F92];
	s0 =	simm.s32 @p1 $0x1  }
0x15: {  	[smem:$0x3FAF] =	sst s0;
	s0 =	simm.s32 @!p2 $0x0  }
0x16: {  	s3 =	sld [smem:$0x3FDB];
	s0 =	simm.s32 @p2 $0x1  }
0x17: {  	s4 =	simm.s32 $0x1BF5;
	[smem:$0x3FB1] =	sst s0  }
0x18: {  	s0 =	sld [smem:$0x3F94];
	_ =	swait.ge [sflag:s4], $0x0  }
0x19: {  	s7 =	sld [smem:$0x3F95]  }
0x1a: {  	s8 =	sadd.s32 $0xFFFFE003, lr  }
0x1b: {  	s9 =	sadd.s32 $0xFFFFFEF7, lr;
	s5 =	simm.s32 $0xFFFFFFFF;
	p2 =	slt.u32 s8, $0xFFFFF086  }
0x1c: {  	p1 =	slt.u32 s9, $0xF7A;
	s5 =	simm.s32 @!p2 $0x0  }
0x1d: {  	s5 =	simm.s32 @p1 $0x1;
	p0 =	seq.s32 s7, s2  }
0x1e: {  	s7 =	smul.u32 @!p0 $0xF7A, s2;
	p2 =	seq.s32 @!p0 s5, $0x0  }
0x1f: {  	s9 =	smul.u32 $0xF7A, s1;
	s8 =	simm.s32 @!p0 $0x1BF5;
	p2 =	por !p2, p0  }
0x20: {  	[sflag:s8] =	ssyncset.s32 @!p0 $0xFFFFF086;
	s6 =	sadd.s32 @!p0 s3, s7;
	s7 =	simm.s32 @!p0 $0x108  }
0x21: {  	s3 =	sadd.s32 s3, s9;
	s6 =	sadd.s32 @!p0 $0x88, s6;
	s7 =	simm.s32 @p2 $0x1082  }
0x22: {  	[simem:s7], [sflag:s8] =	dma.local @!p0 [hbm:s6], $0xF7A  }
0x23: {  	s9 =	sor.u32 $0xD0000000, s2;
	s6 =	simm.s32 $0x108;
	_ =	swait.ge @!p0 [sflag:s8], $0x0  }
0x24: {  	s3 =	sadd.s32 $0x88, s3;
	s6 =	simm.s32 @!p1 $0x1082;
	[sflag:s4] =	ssyncset.s32 $0xFFFFF086  }
0x25: {  	[simem:s6], [sflag:s4] =	dma.local [hbm:s3], $0xF7A  }
0x26: {  	[smem:$0x3F95] =	sst s1;
	(tag) =	ssettag s2;
	_ =	strace s9  }
0x27: {  	s1 =	sld [smem:$0x3FA5]  }
0x28: {  	s2 =	sld [smem:$0x3FA6]  }
0x29: {  	s4 =	sld [smem:$0x3FA8]  }
0x2a: {  	p0 =	seq.s32 s5, $0x0;
	s5 =	sld [smem:$0x3FA9]  }
0x2b: {  	s6 =	sld [smem:$0x3FAA]  }
0x2c: {  	s7 =	sld [smem:$0x3FAB]  }
0x2d: {  	s3 =	simm.s32 $0x108;
	s8 =	sld [smem:$0x3FAC]  }
0x2e: {  	s3 =	simm.s32 @!p0 $0x1082;
	s9 =	sld [smem:$0x3FAD]  }
0x2f: {  	lr =	sadd.s32 s0, s3;
	s0 =	sld [smem:$0x3FA4]  }
0x30: {  	s3 =	sld [smem:$0x3FA7]  }
0x31: {  	[smem:$0x3FB0] =	sst s10  }
0x32: {  	s10 =	sld [smem:$0x3FAE];
	_ =	sdelay $0x3  }
0x33: {  	p0 =	seq.s32 s10, $0x1;
	s10 =	sld [smem:$0x3FB0];
	_ =	sdelay $0x3  }
0x34: {  	[smem:$0x3FB0] =	sst s10  }
0x35: {  	s10 =	sld [smem:$0x3FAF];
	_ =	sdelay $0x3  }
0x36: {  	p1 =	seq.s32 s10, $0x1;
	s10 =	sld [smem:$0x3FB0];
	_ =	sdelay $0x3  }
0x37: {  	[smem:$0x3FB0] =	sst s10  }
0x38: {  	s10 =	sld [smem:$0x3FB1]  }
0x39: {  	_ = 	snop;
	(pc) =	sbr.ind lr, $3  }
0x3a: {  	_ = 	snop  }
0x3b: {  	_ = 	snop  }
0x3c: {  	p2 =	seq.s32 s10, $0x1;
	s10 =	sld [smem:$0x3FB0]  }
0x3d: {  	_ =	shalt  }
0x3e: {  	_ =	shalt  }
0x3f: {  	_ =	shalt  }
0x40: {  	_ =	shalt  }
0x41: {  	_ =	shalt  }
0x42: {  	_ =	shalt  }
0x43: {  	_ =	shalt  }
0x44: {  	_ =	shalt  }
0x45: {  	_ =	shalt  }
0x46: {  	_ =	shalt  }
0x47: {  	_ =	shalt  }
0x48: {  	_ =	shalt  }
0x49: {  	_ =	shalt  }
0x4a: {  	_ =	shalt  }
0x4b: {  	_ =	shalt  }
0x4c: {  	_ =	shalt  }
0x4d: {  	_ =	shalt  }
0x4e: {  	_ =	shalt  }
0x4f: {  	_ =	shalt  }
0x50: {  	_ =	shalt  }
0x51: {  	_ =	shalt  }
0x52: {  	_ =	shalt  }
0x53: {  	_ =	shalt  }
0x54: {  	_ =	shalt  }
0x55: {  	_ =	shalt  }
0x56: {  	_ =	shalt  }
0x57: {  	_ =	shalt  }
0x58: {  	_ =	shalt  }
0x59: {  	_ =	shalt  }
0x5a: {  	_ =	shalt  }
0x5b: {  	_ =	shalt  }
0x5c: {  	_ =	shalt  }
0x5d: {  	_ =	shalt  }
0x5e: {  	_ =	shalt  }
0x5f: {  	_ =	shalt  }
0x60: {  	_ =	shalt  }
0x61: {  	_ =	shalt  }
0x62: {  	_ =	shalt  }
0x63: {  	_ =	shalt  }
0x64: {  	_ =	shalt  }
0x65: {  	_ =	shalt  }
0x66: {  	_ =	shalt  }
0x67: {  	_ =	shalt  }
0x68: {  	_ =	shalt  }
0x69: {  	_ =	shalt  }
0x6a: {  	_ =	shalt  }
0x6b: {  	_ =	shalt  }
0x6c: {  	_ =	shalt  }
0x6d: {  	_ =	shalt  }
0x6e: {  	_ =	shalt  }
0x6f: {  	_ =	shalt  }
0x70: {  	_ =	shalt  }
0x71: {  	_ =	shalt  }
0x72: {  	_ =	shalt  }
0x73: {  	_ =	shalt  }
0x74: {  	_ =	shalt  }
0x75: {  	_ =	shalt  }
0x76: {  	_ =	shalt  }
0x77: {  	_ =	shalt  }
0x78: {  	_ =	shalt  }
0x79: {  	_ =	shalt  }
0x7a: {  	_ =	shalt  }
0x7b: {  	_ =	shalt  }
0x7c: {  	_ =	shalt  }
0x7d: {  	_ =	shalt  }
0x7e: {  	_ =	shalt  }
0x7f: {  	_ =	shalt  }
0x80: {  	_ =	shalt  }
0x81: {  	_ =	shalt  }
0x82: {  	_ =	shalt  }
0x83: {  	_ =	shalt  }
0x84: {  	_ =	shalt  }
0x85: {  	_ =	shalt  }
0x86: {  	_ =	shalt  }
0x87: {  	_ =	shalt  }
.Lfunc_end0:
.L_simem_size_0:
called_computation_lowered:
.L_overlay_start_0:
0x88: {  	s2 =	sld [smem:$0x3FD9]  }
0x89: {  	s3 =	sld [smem:$0x3FFE];
	_ =	sdelay $0x1  }
0x8a: {  	s1 =	srdreg.scid  }
0x8b: {  	s0 =	sand.u32 $0x1, s1  }
0x8c: {  	s17 =	sshll.u32 s0, $0xA;
	s2 =	sadd.s32 s3, s2  }
0x8d: {  	s2 =	sadd.s32 s2, s17  }
0x8e: {  	[smem:$0x3FBC] =	sst s2  }
0x8f: {  	_ = 	snop  }
0x90: {  	s2 =	sld [smem:$0x3FD0];
	(tm) =	ssettm $0x1  }
0x91: {  	s18 =	sld [smem:$0x3FFB];
	_ =	sdelay $0x3  }
0x92: {  	_ =	strace s18  }
0x93: {  	s3 =	sld [smem:$0x3FFC];
	_ =	sdelay $0x3  }
0x94: {  	_ =	strace s3  }
0x95: {  	s3 =	sld [smem:$0x3FFD];
	_ =	sdelay $0x3  }
0x96: {  	_ =	strace s3  }
0x97: {  	_ =	strace $0x8FFFFFFF  }
0x98: {  	s19 =	sld [smem:$0x3FDB];
	_ =	sdelay $0x1  }
0x99: {  	s4 =	simm.s32 $_scs_section_size  }
0x9a: {  	s5 =	simm.s32 $_size__tile_overlayer_lowered;
	s6 =	simm.s32 $_tile_overlayer_lowered  }
0x9b: {  	s22 =	simm.s32 $0x1BFF;
	s21 =	sshll.u32 s6, $0x1;
	s3 =	sadd.s32 s4, s19  }
0x9c: {  	s7 =	simm.s32 $0x0;
	s20 =	sshll.u32 s5, $0x1;
	s5 =	sadd.s32 s21, s3  }
0x9d: {  	[timem:s7], [sflag:s22] =	dma.local [hbm:s5], s20  }
0x9e: {  	_ =	swait.ge [sflag:s22], s20  }
0x9f: {  	s4 =	ssub.s32 $0x0, s20;
	[sflag:s22] =	ssyncset.done $0x0  }
0xa0: {  	[sflag:s22] =	ssyncadd.s32 s4;
	_ =	sdelay $0x1  }
0xa1: {  	s23 =	simm.s32 $0x1B8B  }
0xa2: {  	_ =	swait.ge [sflag:s23], $0x1  }
0xa3: {  	[sflag:s23] =	ssyncset.done $0x0  }
0xa4: {  	s25 =	simm.s32 $0x1B8E;
	s24 =	sld [smem:$0x3FFE];
	[sflag:s23] =	ssyncadd.s32 $0xFFFFFFFF  }
0xa5: {  	s26 =	simm.s32 $execute0_lowered;
	[smem:$0x3FD2] =	sst s25  }
0xa6: {  	s5 =	sshll.u32 s26, $0x1;
	_ =	strace $0x80000046;
	[dreg:$0x1] =	wrdreg $0xFFFFFFFF  }
0xa7: {  	s28 =	simm.s32 $_size_execute0_lowered;
	s3 =	sadd.s32 s3, s5;
	[dreg:$0x0] =	wrdreg $0x0  }
0xa8: {  	s5 =	sshll.u32 s28, $0x1;
	[dreg:$0x2] =	wrdreg s3  }
0xa9: {  	[dreg:$0x3] =	wrdreg s5  }
0xaa: {  	[dreg:$0x4] =	wrdreg $0xC0  }
0xab: {  	_ =	task [dreg:s7], $0x5FFFF  }
0xac: {  	[dreg:$0x1] =	wrdreg $0xFFFFFFFF  }
0xad: {  	[dreg:$0x0] =	wrdreg $0x60  }
0xae: {  	[dreg:$0x2] =	wrdreg s2  }
0xaf: {  	[dreg:$0x3] =	wrdreg s24  }
0xb0: {  	[dreg:$0x4] =	wrdreg $0x9  }
0xb1: {  	_ =	task.clear_ibuf [dreg:s7], $0x5FFFF;
	_ =	strace $0x90000046  }
0xb2: {  	s29 =	simm.s32 $0x9;
	_ =	strace $0x80000048  }
0xb3: {  	_ =	swait.ge [sflag:s29], $0x1  }
0xb4: {  	[sflag:s29] =	ssyncadd.s32 $0xFFFFFFFF  }
0xb5: {  	_ =	strace $0x90000048  }
0xb6: {  	_ =	sfence  }
0xb7: {  	s30 =	sld [smem:$0x0];
	_ =	sdelay $0x2  }
0xb8: {  	s31 =	sshll.u32 s1, $0xD;
	s1 =	sshrl.u32 s1, $0x2  }
0xb9: {  	s3 =	sand.u32 $0x4000, s31;
	s1 =	sadd.s32 s1, s30  }
0xba: {  	s0 =	sor.u32 s3, s0;
	s1 =	sshll.u32 s1, $0x11  }
0xbb: {  	s0 =	sor.u32 s1, s0  }
0xbc: {  	s0 =	sadd.s32 $0x8F2B, s0  }
0xbd: {  	[sflag:s0] =	ssyncadd.remote.s32 $0x1  }
0xbe: {  	_ =	sfence.sel $0xFFFF  }
0xbf: {  	[dreg:$0x0] =	wrdreg $0xFFFFFFFF;
	(pc) =	sbr.abs _section_cstart, $3  }
0xc0: {  	[dreg:$0x1] =	wrdreg $0xFFFFFFFF  }
0xc1: {  	_ =	task.clear_ibuf [dreg:s7], $0x2FFFF;
	_ =	strace $0x9FFFFFFF  }
0xc2: {  	(tm) =	ssettm $0x7FFFFFFF  }
0xc3: {  	_ =	shalt  }
tec
execute0_lowered:
.L_overlay_start_1:
0x0: {  	(tag) =	ssettag $0x1  }
0x1: {  	s0 =	srdreg.scid;
	s7 =	rddreg [dreg:$0x0]  }
0x2: {  	s6 =	rddreg [dreg:$0x1];
	s2 =	simm.s32 $0x0;
	s8 =	simm.s32 $0x1  }
0x3: {  	s11 =	simm.s32 $0x2000;
	s12 =	simm.s32 $0x3600;
	s3 =	sand.u32 $0x1, s0  }
0x4: {  	s13 =	simm.s32 $0x4600;
	s0 =	stileid.u32;
	s1 =	sshll.u32 s3, $0x4  }
0x5: {  	s14 =	simm.s32 $0x5600;
	s5 =	sand.u32 $0x7, s0;
	s4 =	sor.u32 s0, s1  }
0x6: {  	s15 =	simm.s32 $0x6600;
	p1 =	sne.s32 s5, $0x0;
	p0 =	seq.s32 s4, $0x0  }
0x7: {  	s16 =	simm.s32 $0x3000;
	s17 =	simm.s32 $0x0;
	p0 =	por !p1, !p0  }
0x8: {  	[smem:$0x7FF] =	sst s2;
	s3 =	ssub.s32 $0x2, s3;
	p0 =	por !p0, !p0  }
0x9: {  	s9 =	smul.u32 $0xC0, s4;
	s4 =	sshrl.u32 s4, $0x3;
	s8 =	simm.s32 @!p0 $0x0  }
0xa: {  	s1 =	rddreg [dreg:$0x2];
	s28 =	sshrl.u32 s3, $0x1;
	s4 =	ssub.s32 s4, s8  }
0xb: {  	_ =	strace $0x80000047;
	s10 =	ssub.s32 s3, s28;
	s29 =	smul.u32 $0x3000, s4  }
.Ltmp0:
0xc: {  	s3 =	simm.s32 $0x1;
	s26 =	sadd.s32 s9, s6;
	(pc) =	sbr.rel .LBB2_1-.Ltmp0, $4  }
0xd: {  	s8 =	sadd.s32 $0x1600, s26;
	s4 =	sshll.u32 s5, $0x9;
	s31 =	sadd.s32 $0x1000, s29  }
0xe: {  	v1 =	vimm.s32 $0x400;
	vm0 =	vcmask $0x300;
	s30 =	sshrl.u32 s29, $0x3;
	s9 =	sadd.s32 $0x2000, s29;
	s6 =	sshrl.u32 s31, $0x3  }
0xf: {  	v0 =	vlaneseq.u32;
	vm15 =	vcmask $0x704;
	v3 =	vsel vm0, $0x0, v1;
	s5 =	sadd.s32 s7, s30;
	s9 =	sshrl.u32 s9, $0x3;
	s6 =	sadd.s32 s7, s6  }
0x10: {  	v2 =	vimm.s32 $0x0;
	v1 =	vor.u32 $0x10, v0;
	v3 =	vsel vm15, $0x200, v3;
	s7 =	sadd.s32 s7, s9;
	s9 =	smax.u32 s10, $0x1;
	s10 =	simm.s32 $0x1000  }
.LBB2_23:
0x11: {  	s17 =	sadd.s32 $0x1, s17  }
0x12: {  	p0 =	sne.s32 s17, s9  }
.Ltmp1:
0x13: {  	_ = 	snop;
	(pc) =	sbr.rel @!p0 .LBB2_24-.Ltmp1, $4  }
0x14: {  	[hbm4b:s8+s2] =	stream.linear.scatter [tilespmem:s16], [sflag:$0x1], $0x600, $0x38;
	[tilespmem:$0x9600] =	vst v63  }
0x15: {  	_ =	swait.ge [sflag:s3], $0x600  }
0x16: {  	[sflag:s3] =	ssyncset.done $0x0  }
0x17: {  	[sflag:s3] =	ssyncadd.s32 $0xFFFFFA00  }
.LBB2_1:
0x18: {  	[tilespmem:s2], [sflag:$0x1] =	stream.linear.gather [hbm4b:s5+s2], $0x1000, $0x38;
	[tilespmem:$0x9600] =	vst v63  }
0x19: {  	_ =	swait.ge [sflag:s3], $0x1000  }
0x1a: {  	[sflag:s3] =	ssyncset.done $0x0  }
0x1b: {  	[sflag:s3] =	ssyncadd.s32 $0xFFFFF000  }
0x1c: {  	[tilespmem:s10], [sflag:$0x1] =	stream.linear.gather [hbm4b:s6+s2], $0x1000, $0x38;
	[tilespmem:$0x9600] =	vst v63  }
0x1d: {  	_ =	swait.ge [sflag:s3], $0x1000  }
0x1e: {  	[sflag:s3] =	ssyncset.done $0x0  }
.Ltmp2:
0x1f: {  	[sflag:s3] =	ssyncadd.s32 $0xFFFFF000;
	(pc) =	sbr.rel .LBB2_2-.Ltmp2, $4  }
0x20: {  	[tilespmem:s11], [sflag:$0x1] =	stream.linear.gather [hbm4b:s7+s2], $0x1000, $0x38;
	[tilespmem:$0x9600] =	vst v63  }
0x21: {  	_ =	swait.ge [sflag:s3], $0x1000  }
0x22: {  	[sflag:s3] =	ssyncset.done $0x0  }
0x23: {  	s18 =	simm.s32 $0x0;
	[sflag:s3] =	ssyncadd.s32 $0xFFFFF000  }
.LBB2_16:
0x24: {  	s21 =	smov.u32 s20  }
.LBB2_21:
0x25: {  	v14 =	vmul.u32 @p0 $0xFFFFFFFF, v0  }
0x26: {  	v15 =	vld [tilespmem:s22+$0x0];
	s21 =	sadd.s32 @p0 $0xFFFFFFF0, s21  }
0x27: {  	v16, v17, _ =	vpop @p0 (xrf1);
	s20 =	smov.u32 @p0 s21;
	v14 =	vadd.s32 @p0 $0xF, v14  }
0x28: {  	v19, v20, _ =	vpop @p1 (xrf1);
	v18 =	vmov s20;
	v16 =	vperm.xlane @p0 v16, v14  }
0x29: {  	vm0 =	vgt.s32 v18, v0;
	v14 =	vperm.xlane @p0 v17, v14;
	v17 =	vpsel p1, v19, v12  }
0x2a: {  	v18 =	vpsel p1, v20, v10;
	v13 =	vnsel vm0, $0x7F800000, v13;
	vm0 =	vle.f32 @p0 v17, v16  }
0x2b: {  	(xrf1) =	vsort.ascd.msk.f32 $0xffff, v13, v15;
	v13 =	vsel @p0 vm0, v17, v16;
	v14 =	vsel @p0 vm0, v18, v14  }
0x2c: {  	(xrf1) =	vsort.ascd.msk.f32 @p0 $0xffff, v13, v14;
	_ =	sdelay $0xa  }
0x2d: {  	v61 =	vmul.u32 $0xFFFFFFFF, v0;
	_ =	sdelay $0x1  }
0x2e: {  	v13 =	vadd.s32 $0xF, v61;
	v62, v15, _ =	vpop (xrf1)  }
0x2f: {  	v14 =	vperm.xlane v62, v13;
	v16, v17, _ =	vpop @p0 (xrf1)  }
0x30: {  	v13 =	vperm.xlane v15, v13;
	v63 =	vpsel p0, v16, v12  }
0x31: {  	v10 =	vpsel p0, v17, v10;
	vm15 =	vle.f32 v63, v14  }
0x32: {  	v12 =	vsel vm15, v63, v14;
	v10 =	vsel vm15, v10, v13  }
0x33: {  	(xrf1) =	vsort.ascd.msk.f32 $0xffff, v12, v10;
	_ =	sdelay $0xd  }
0x34: {  	v12, v10, _ =	vpop (xrf1)  }
.LBB2_22:
0x35: {  	_ =	sdelay $0x3  }
0x36: {  	v12 =	vld.idx.msk [tilespmem:v11+s2+$0x0], $0xffff;
	_ =	sdelay $0x1  }
0x37: {  	v13 =	vld.idx.msk [tilespmem:v11+s10+$0x0], $0xffff;
	_ =	sdelay $0x1  }
0x38: {  	v56 =	vld.idx.msk [tilespmem:v11+s11+$0x0], $0xffff  }
0x39: {  	(xrf2) =	vadd.scan.msk.f32 $0xffff, v12;
	_ =	sdelay $0x1  }
0x3a: {  	(xrf2) =	vadd.scan.msk.f32 $0xffff, v13;
	_ =	sdelay $0x1  }
0x3b: {  	(xrf2) =	vadd.scan.msk.f32 $0xffff, v56;
	_ =	sdelay $0x5  }
0x3c: {  	v57, _, _ =	vpop (xrf2)  }
0x3d: {  	(v2sf) =	vpush v57, $0xF  }
0x3e: {  	v58, _, _ =	vpop (xrf2);
	(v2sf) =	vpush v9, $0x0  }
0x3f: {  	(v2sf) =	vpush v58, $0xF  }
0x40: {  	v59, _, _ =	vpop (xrf2);
	(v2sf) =	vpush v8, $0x0  }
0x41: {  	(v2sf) =	vpush v59, $0xF;
	_ =	sdelay $0x1  }
0x42: {  	(v2sf) =	vpush v7, $0x0;
	_ =	sdelay $0x8  }
0x43: {  	s20 =	spop (v2sf)  }
0x44: {  	s21 =	spop (v2sf)  }
0x45: {  	s22 =	spop (v2sf)  }
0x46: {  	s23 =	spop (v2sf)  }
0x47: {  	s24 =	spop (v2sf)  }
0x48: {  	s24 =	smul.f32 $6.250000000e-02, s24  }
0x49: {  	s20 =	smul.f32 $6.250000000e-02, s20;
	s25 =	spop (v2sf)  }
0x4a: {  	v60 =	vor.u32 s19, v3;
	s22 =	smul.f32 $6.250000000e-02, s22;
	s24 =	ssub.f32 s24, s25  }
0x4b: {  	s20 =	ssub.f32 s20, s21  }
0x4c: {  	vm0 =	veq.s32 v0, $0x0;
	s31 =	ssub.f32 s22, s23;
	v61 =	vmov s24  }
0x4d: {  	vm1 =	veq.s32 v0, $0x1;
	v8 =	vsel vm0, s20, v61  }
0x4e: {  	v8 =	vsel vm1, s31, v8  }
0x4f: {  	[tilespmem:v60+s16+$0x0] =	vst.idx.msk $0x7, v8  }
0x50: {  	v7 =	vld.idx.msk [tilespmem:v10+s2+$0x0], $0xffff;
	_ =	sdelay $0x1  }
0x51: {  	v8 =	vld.idx.msk [tilespmem:v10+s10+$0x0], $0xffff;
	_ =	sdelay $0x1  }
0x52: {  	v62 =	vld.idx.msk [tilespmem:v10+s11+$0x0], $0xffff  }
0x53: {  	(xrf2) =	vadd.scan.msk.f32 $0xffff, v7;
	_ =	sdelay $0x1  }
0x54: {  	(xrf2) =	vadd.scan.msk.f32 $0xffff, v8;
	_ =	sdelay $0x1  }
0x55: {  	(xrf2) =	vadd.scan.msk.f32 $0xffff, v62;
	_ =	sdelay $0x5  }
0x56: {  	v7, _, _ =	vpop (xrf2)  }
0x57: {  	(v2sf) =	vpush v7, $0xF  }
0x58: {  	v63, _, _ =	vpop (xrf2);
	(v2sf) =	vpush v6, $0x0  }
0x59: {  	(v2sf) =	vpush v63, $0xF  }
0x5a: {  	(v2sf) =	vpush v5, $0x0;
	v5, _, _ =	vpop (xrf2)  }
0x5b: {  	(v2sf) =	vpush v5, $0xF;
	_ =	sdelay $0x1  }
0x5c: {  	(v2sf) =	vpush v4, $0x0;
	_ =	sdelay $0x8  }
0x5d: {  	s22 =	spop (v2sf)  }
0x5e: {  	s23 =	spop (v2sf)  }
0x5f: {  	s30 =	spop (v2sf)  }
0x60: {  	s31 =	spop (v2sf)  }
0x61: {  	s26 =	spop (v2sf)  }
0x62: {  	s28 =	sor.u32 $0x1, s19;
	s24 =	smul.f32 $6.250000000e-02, s26  }
0x63: {  	s18 =	sadd.s32 $0x1, s18;
	s20 =	smul.f32 $6.250000000e-02, s22;
	s29 =	spop (v2sf)  }
0x64: {  	p0 =	sne.s32 s18, $0x100;
	v4 =	vor.u32 s28, v3;
	s22 =	smul.f32 $6.250000000e-02, s30;
	s24 =	ssub.f32 s24, s29  }
.Ltmp3:
0x65: {  	s30 =	ssub.f32 s20, s23;
	(pc) =	sbr.rel @!p0 .LBB2_23-.Ltmp3, $4  }
0x66: {  	s31 =	ssub.f32 s22, s31;
	v5 =	vmov s24  }
0x67: {  	v5 =	vsel vm0, s30, v5  }
0x68: {  	v5 =	vsel vm1, s31, v5  }
0x69: {  	[tilespmem:v4+s16+$0x0] =	vst.idx.msk $0x7, v5  }
.LBB2_2:
0x6a: {  	s19 =	sshll.u32 s18, $0x1  }
0x6b: {  	s20 =	sadd.s32 s4, s19  }
0x6c: {  	s31 =	simm.s32 $0x1020;
	v4 =	vmov s20  }
0x6d: {  	s21 =	simm.s32 $0x2020;
	v10 =	vld [tilespmem:s31+$0xFFFFFFE0];
	s20 =	sor.u32 $0x1, s20;
	v4 =	vand.u32 $0xFFFFFFFE, v4  }
0x6e: {  	v12 =	vld [tilespmem:s21+$0x10];
	v6 =	vmov s20;
	v4 =	vbroadcast v4, $0x0  }
0x6f: {  	v17 =	vld [tilespmem:s31+$0x10]  }
0x70: {  	s22 =	simm.s32 $0x20;
	v15 =	vld [tilespmem:s21+$0x0]  }
0x71: {  	v11 =	vld [tilespmem:s22+$0x10]  }
0x72: {  	v18 =	vld [tilespmem:s21+$0xFFFFFFE0]  }
0x73: {  	v5 =	vld.idx.msk [tilespmem:v6+s10+$0x0], $0xffff  }
0x74: {  	v9 =	vld.idx.msk [tilespmem:v4+s2+$0x0], $0xffff  }
0x75: {  	v8 =	vld.idx.msk [tilespmem:v4+s10+$0x0], $0xffff  }
0x76: {  	v7 =	vld.idx.msk [tilespmem:v4+s11+$0x0], $0xffff  }
0x77: {  	v4 =	vld.idx.msk [tilespmem:v6+s11+$0x0], $0xffff  }
0x78: {  	v19 =	vld [tilespmem:s22+$0xFFFFFFE0]  }
0x79: {  	v6 =	vld.idx.msk [tilespmem:v6+s2+$0x0], $0xffff  }
0x7a: {  	v27 =	vld [tilespmem:s21+$0xFFFFFFF0]  }
0x7b: {  	v13 =	vsub.f32 v10, v5;
	v14 =	vsub.f32 v10, v8  }
0x7c: {  	v16 =	vsub.f32 v17, v8;
	v21 =	vsub.f32 v15, v4  }
0x7d: {  	v20 =	vimm.f32 $+Inf;
	v29 =	vld [tilespmem:s22+$0x0];
	v10 =	vsub.f32 v12, v4;
	v24 =	vsub.f32 v11, v9  }
0x7e: {  	v23 =	vld [tilespmem:s31+$0xFFFFFFF0];
	v22 =	vmul.f32 v13, v13;
	v30 =	vsub.f32 v12, v7;
	v28 =	vsub.f32 v19, v6  }
0x7f: {  	v31 =	vsub.f32 v18, v4;
	v34 =	vsub.f32 v27, v4;
	v13 =	vmul.f32 v16, v16  }
0x80: {  	v25 =	vld [tilespmem:s22+$0xFFFFFFF0];
	v26 =	vmul.f32 v14, v14;
	v14 =	vsub.f32 v11, v6;
	v11 =	vmul.f32 v21, v21  }
0x81: {  	v21 =	vsub.f32 v15, v7;
	v16 =	vmul.f32 v24, v24;
	v24 =	vsub.f32 v18, v7  }
0x82: {  	v15 =	vld [tilespmem:s31+$0x0];
	v18 =	vsub.f32 v17, v5;
	v17 =	vsub.f32 v19, v9;
	v32 =	vmul.f32 v28, v28  }
0x83: {  	v33 =	vmul.f32 v31, v31;
	v19 =	vsub.f32 v29, v6;
	v31 =	vsub.f32 v23, v5  }
0x84: {  	v28 =	vsub.f32 v27, v7;
	v29 =	vsub.f32 v29, v9;
	v12 =	vmul.f32 v21, v21  }
0x85: {  	v24 =	vmul.f32 v24, v24;
	v21 =	vsub.f32 v25, v6;
	v17 =	vmul.f32 v17, v17  }
0x86: {  	s23 =	simm.s32 $0x7620;
	s24 =	simm.s32 $0x0;
	v25 =	vsub.f32 v25, v9;
	v22 =	vadd.f32 v22, v32;
	v27 =	vmul.f32 v31, v31  }
0x87: {  	s25 =	simm.s32 $0x2060;
	s26 =	simm.s32 $0x1060;
	s28 =	simm.s32 $0x60;
	v31 =	vadd.f32 v26, v17;
	v17 =	vmul.f32 v30, v30;
	v32 =	vsub.f32 v15, v8  }
0x88: {  	s22 =	simm.s32 $0x8620;
	s21 =	simm.s32 $0x8620;
	s20 =	simm.s32 $0x7620;
	v26 =	vadd.f32 v33, v22;
	v22 =	vmul.f32 v34, v34;
	v30 =	vimm.f32 $+Inf  }
.LBB2_3:
0x89: {  	v33 =	vld [tilespmem:s26+$0xFFFFFFE0];
	s24 =	sadd.s32 $0x4, s24;
	v24 =	vadd.f32 v24, v31;
	v23 =	vsub.f32 v23, v8;
	v31 =	vmul.f32 v32, v32;
	s22 =	sadd.s32 $0x40, s22;
	s23 =	sadd.s32 $0x40, s23  }
0x8a: {  	v28 =	vmul.f32 v28, v28;
	v15 =	vsub.f32 v15, v5;
	v32 =	vld [tilespmem:s25+$0x10];
	p0 =	slt.u32 s24, $0xFC;
	v20 =	vmin.f32 v20, v26  }
0x8b: {  	v21 =	vmul.f32 v21, v21;
	v34 =	vld [tilespmem:s26+$0x10];
	[tilespmem:s20+$0xFFFFFFE0] =	vst v24;
	v30 =	vmin.f32 v30, v24;
	v24 =	vmul.f32 v25, v25  }
0x8c: {  	v14 =	vmul.f32 v14, v14;
	v23 =	vmul.f32 v23, v23;
	v25 =	vld [tilespmem:s25+$0x0];
	[tilespmem:s21+$0xFFFFFFE0] =	vst v26;
	v26 =	vadd.f32 v13, v16  }
0x8d: {  	v21 =	vadd.f32 v27, v21;
	v27 =	vmul.f32 v15, v15;
	v13 =	vmul.f32 v29, v29;
	v16 =	vld [tilespmem:s28+$0x10]  }
0x8e: {  	v19 =	vmul.f32 v19, v19;
	v24 =	vadd.f32 v23, v24;
	v29 =	vsub.f32 v33, v8;
	v35 =	vld [tilespmem:s25+$0xFFFFFFF0]  }
0x8f: {  	v18 =	vmul.f32 v18, v18;
	v23 =	vsub.f32 v33, v5;
	v31 =	vadd.f32 v31, v13;
	v33 =	vld [tilespmem:s28+$0x0]  }
0x90: {  	v19 =	vadd.f32 v27, v19;
	v27 =	vmul.f32 v10, v10;
	v15 =	vld [tilespmem:s26+$0x0];
	v13 =	vsub.f32 v34, v8  }
0x91: {  	v10 =	vsub.f32 v32, v4;
	v37 =	vmul.f32 v23, v23;
	v36 =	vld [tilespmem:s25+$0xFFFFFFE0];
	v23 =	vsub.f32 v25, v4  }
0x92: {  	v18 =	vadd.f32 v18, v14;
	v38 =	vld [tilespmem:s28+$0xFFFFFFE0];
	v39 =	vsub.f32 v16, v9;
	v13 =	vmul.f32 v13, v13  }
0x93: {  	v22 =	vadd.f32 v22, v21;
	v29 =	vmul.f32 v29, v29;
	v14 =	vsub.f32 v16, v6  }
0x94: {  	v41 =	vsub.f32 v32, v7;
	v32 =	vadd.f32 v11, v19;
	v11 =	vmul.f32 v23, v23;
	v40 =	vld [tilespmem:s28+$0xFFFFFFF0]  }
0x95: {  	v27 =	vadd.f32 v27, v18;
	v19 =	vsub.f32 v25, v7;
	v16 =	vmul.f32 v39, v39  }
0x96: {  	v20 =	vmin.f32 v20, v22;
	v31 =	vadd.f32 v12, v31;
	v18 =	vsub.f32 v36, v7  }
0x97: {  	v12 =	vmul.f32 v19, v19;
	v19 =	vadd.f32 v28, v24;
	v39 =	vsub.f32 v38, v6;
	v23 =	vld [tilespmem:s26+$0xFFFFFFF0]  }
0x98: {  	v26 =	vadd.f32 v17, v26;
	v25 =	vsub.f32 v36, v4;
	v24 =	vmul.f32 v18, v18;
	[tilespmem:s20+$0x0] =	vst v31  }
0x99: {  	v17 =	vmin.f32 v30, v19;
	v18 =	vsub.f32 v34, v5;
	v21 =	vsub.f32 v40, v6;
	[tilespmem:s20+$0xFFFFFFF0] =	vst v19  }
0x9a: {  	v34 =	vmul.f32 v25, v25;
	v25 =	vsub.f32 v40, v9;
	v19 =	vsub.f32 v33, v6;
	[tilespmem:s20+$0x10] =	vst v26;
	s20 =	smov.u32 s23  }
0x9b: {  	v20 =	vmin.f32 v20, v32;
	v28 =	vsub.f32 v35, v7;
	v30 =	vsub.f32 v38, v9;
	[tilespmem:s21+$0x10] =	vst v27  }
.Ltmp4:
0x9c: {  	v20 =	vmin.f32 v20, v27;
	v36 =	vmul.f32 v39, v39;
	v38 =	vsub.f32 v23, v5;
	[tilespmem:s21+$0x0] =	vst v32;
	(pc) =	sbr.rel @p0 .LBB2_3-.Ltmp4, $4  }
0x9d: {  	v35 =	vsub.f32 v35, v4;
	v30 =	vmul.f32 v30, v30;
	[tilespmem:s21+$0xFFFFFFF0] =	vst v22;
	v22 =	vmin.f32 v17, v31;
	s21 =	smov.u32 s22  }
0x9e: {  	v36 =	vadd.f32 v37, v36;
	v32 =	vsub.f32 v15, v8;
	v27 =	vmul.f32 v38, v38  }
0x9f: {  	v31 =	vadd.f32 v29, v30;
	v17 =	vmul.f32 v41, v41;
	v30 =	vmin.f32 v22, v26  }
0xa0: {  	s25 =	sadd.s32 $0x40, s25;
	s28 =	sadd.s32 $0x40, s28;
	s26 =	sadd.s32 $0x40, s26;
	v29 =	vsub.f32 v33, v9;
	v26 =	vadd.f32 v34, v36;
	v22 =	vmul.f32 v35, v35  }
0xa1: {  	v23 =	vsub.f32 v23, v8;
	v32 =	vmul.f32 v32, v32  }
0xa2: {  	v25 =	vmul.f32 v25, v25;
	v15 =	vsub.f32 v15, v5;
	v21 =	vmul.f32 v21, v21  }
0xa3: {  	v14 =	vmul.f32 v14, v14;
	v13 =	vadd.f32 v13, v16;
	v16 =	vmul.f32 v19, v19  }
0xa4: {  	v24 =	vadd.f32 v24, v31;
	v18 =	vmul.f32 v18, v18;
	v10 =	vmul.f32 v10, v10  }
0xa5: {  	v29 =	vmul.f32 v29, v29;
	v23 =	vmul.f32 v23, v23;
	v19 =	vadd.f32 v27, v21  }
0xa6: {  	v15 =	vmul.f32 v15, v15;
	v14 =	vadd.f32 v18, v14;
	v13 =	vadd.f32 v17, v13  }
0xa7: {  	v28 =	vmul.f32 v28, v28;
	[tilespmem:s20+$0xFFFFFFE0] =	vst v24;
	v21 =	vadd.f32 v23, v25;
	v23 =	vadd.f32 v32, v29  }
0xa8: {  	[tilespmem:s21+$0xFFFFFFE0] =	vst v26;
	v15 =	vadd.f32 v15, v16;
	v10 =	vadd.f32 v10, v14  }
0xa9: {  	[tilespmem:s20+$0x10] =	vst v13;
	v18 =	vadd.f32 v28, v21;
	v12 =	vadd.f32 v12, v23  }
0xaa: {  	v16 =	vmin.f32 v30, v24;
	[tilespmem:s21+$0x10] =	vst v10  }
0xab: {  	v19 =	vadd.f32 v22, v19;
	v11 =	vadd.f32 v11, v15;
	v15 =	vmin.f32 v16, v18;
	[tilespmem:s20+$0x0] =	vst v12  }
0xac: {  	v20 =	vmin.f32 v20, v26;
	[tilespmem:s20+$0xFFFFFFF0] =	vst v18;
	v15 =	vmin.f32 v15, v12  }
0xad: {  	v14 =	vmin.f32 v20, v19;
	[tilespmem:s21+$0x0] =	vst v11;
	v15 =	vmin.f32 v15, v13  }
0xae: {  	s30 =	simm.s32 $0x8640;
	v14 =	vmin.f32 v14, v11;
	[tilespmem:s21+$0xFFFFFFF0] =	vst v19;
	(xrf0) =	vmax.scan.msk.f32 $0xffff, v15  }
0xaf: {  	v12 =	vmin.f32 v14, v10;
	v21 =	vld [tilespmem:s30+$0xFFFFFFC0]  }
0xb0: {  	s31 =	simm.s32 $0x7640;
	v10 =	vld [tilespmem:s30+$0x10];
	(xrf0) =	vmax.scan.msk.f32 $0xffff, v12  }
0xb1: {  	v33 =	vld [tilespmem:s31+$0x0]  }
0xb2: {  	v17 =	vld [tilespmem:s31+$0xFFFFFFD0]  }
0xb3: {  	v24 =	vld [tilespmem:s31+$0xFFFFFFE0]  }
0xb4: {  	v15 =	vld [tilespmem:s31+$0x30];
	v12, _, _ =	vpop (xrf0)  }
0xb5: {  	v23 =	vld [tilespmem:s31+$0x20];
	v12 =	vadd.f32 $0.0e+00, v12  }
0xb6: {  	v26 =	vld [tilespmem:s31+$0xFFFFFFC0];
	v11, _, _ =	vpop (xrf0)  }
0xb7: {  	v14 =	vld [tilespmem:s30+$0x0];
	v13 =	vadd.f32 $0.0e+00, v11;
	v22 =	vbroadcast v12, $0xF  }
0xb8: {  	v45 =	vimm.s32 $0x0;
	v48 =	vimm.s32 $0x0;
	v27 =	vimm.s32 $0x0;
	v20 =	vld [tilespmem:s30+$0x20]  }
0xb9: {  	v19 =	vbroadcast v13, $0xF;
	vm2 =	vle.f32 v33, v22;
	vm10 =	vle.f32 v15, v22  }
0xba: {  	vm12 =	vle.f32 v24, v22;
	vm9 =	vle.f32 v17, v22;
	vm5 =	vle.f32 v23, v22  }
0xbb: {  	v11 =	vld [tilespmem:s30+$0x30];
	vm14 =	vle.f32 v26, v22;
	vm8 =	vle.f32 v21, v19;
	vm1 =	vle.f32 v10, v19  }
0xbc: {  	vm4 =	vle.f32 v14, v19;
	v18 =	vsel vm2, $0x1, v2;
	v59 =	vsel vm10, $0x10000, v2  }
0xbd: {  	vm15 =	vle.f32 v20, v19;
	v35 =	vsel vm12, $0x1, v2;
	v37 =	vsel vm9, $0x10000, v2  }
0xbe: {  	v12 =	vld [tilespmem:s30+$0xFFFFFFF0];
	v38 =	vmpcnt.ones.xlane vm14;
	v40 =	vsel vm14, $0x1, v2;
	v42 =	vmpcnt.ones.xlane vm9  }
0xbf: {  	v13 =	vld [tilespmem:s31+$0x10];
	v41 =	vsel vm5, $0x1, v2;
	v62 =	vmpcnt.ones.xlane vm12;
	v47 =	vmpcnt.ones.xlane vm2  }
0xc0: {  	v16 =	vmpcnt.ones.xlane vm8;
	v28 =	vsel vm8, $0x100, v2;
	vm13 =	vle.f32 v11, v19  }
0xc1: {  	v25 =	vsel vm4, $0x100, v2;
	v39 =	vmpcnt.ones.xlane vm1;
	v34 =	vsel vm1, $0x1000000, v2  }
0xc2: {  	v60 =	vsel vm15, $0x100, v2;
	v48 =	vsel vm4, $0xFFFFFFFF, v48;
	v49 =	vmpcnt.ones.xlane vm4  }
0xc3: {  	v30 =	vsel vm13, $0x1000000, v2;
	v25 =	vor.u32 v18, v25;
	v18 =	vld [tilespmem:s30+$0xFFFFFFE0];
	vm11 =	vle.f32 v12, v19  }
0xc4: {  	v28 =	vor.u32 v40, v28;
	v29 =	vadd.s32 v27, v16;
	vm3 =	vle.f32 v13, v22;
	v16 =	vld [tilespmem:s31+$0xFFFFFFF0]  }
0xc5: {  	v43 =	vadd.s32 v27, v38;
	vm13 =	vmmov vm13;
	v31 =	vsel vm3, $0x10000, v2  }
0xc6: {  	v36 =	vsel vm11, $0x1000000, v2;
	v37 =	vor.u32 v37, v28;
	v31 =	vor.u32 v31, v25;
	v25 =	vld [tilespmem:s30+$0xFFFFFFD0]  }
0xc7: {  	v28 =	vimm.s32 $0x0;
	v42 =	vadd.s32 v43, v42;
	v58 =	vmpcnt.ones.xlane vm11  }
0xc8: {  	v55 =	vmpcnt.ones.xlane vm3;
	v31 =	vor.u32 v34, v31;
	v34 =	vor.u32 v41, v60  }
0xc9: {  	(xrf0) =	vadd.scan.msk.s32 $0xffff, v31;
	vm7 =	vle.f32 v18, v19;
	v32 =	vor.u32 v59, v34;
	vm0 =	vle.f32 v16, v22  }
0xca: {  	v57 =	vmpcnt.ones.xlane vm7;
	v31 =	vsel vm0, $0x10000, v2;
	v28 =	vsel vm0, $0xFFFFFFFF, v28  }
0xcb: {  	v44 =	vmpcnt.ones.xlane vm0;
	vm0 =	vmmov vm1;
	vm6 =	vle.f32 v25, v19  }
0xcc: {  	[tilespmem:$0x1FFD0] =	vst v28;
	v28 =	vsel vm7, $0x100, v2;
	v61 =	vsel vm6, $0x1000000, v2;
	v45 =	vsel vm6, $0xFFFFFFFF, v45  }
0xcd: {  	v35 =	vor.u32 v35, v28;
	v28 =	vadd.s32 v42, v62;
	[tilespmem:$0x1FFE0] =	vst v45;
	v45 =	vmpcnt.ones.xlane vm6  }
0xce: {  	v31 =	vor.u32 v31, v35;
	v52 =	vadd.s32 v28, v44;
	v37 =	vor.u32 v61, v37  }
0xcf: {  	s20 =	simm.s32 $0x0;
	vm6 =	vmmov vm3;
	v46, _, _ =	vpop (xrf0);
	v35 =	vadd.s32 v52, v47;
	v31 =	vor.u32 v36, v31  }
0xd0: {  	(xrf0) =	vadd.scan.msk.s32 $0xffff, v37;
	v37 =	vor.u32 s20, v0;
	v47 =	vmpcnt.ones.xlane vm5;
	v63 =	vshrl.u32 v46, $0x8  }
0xd1: {  	v53 =	vand.u32 $0xFF, v46;
	v54 =	vshrl.u32 v46, $0x10;
	v34 =	vadd.s32 v35, v55  }
0xd2: {  	(xrf0) =	vadd.scan.msk.s32 $0xffff, v31;
	v31 =	vor.u32 v30, v32;
	v32 =	vmpcnt.ones.xlane vm15;
	v40 =	vadd.s32 v29, v45  }
0xd3: {  	v45 =	vmpcnt.ones.xlane vm10;
	v44 =	vadd.s32 v53, v52;
	v36 =	vadd.s32 v40, v57  }
0xd4: {  	v56 =	vand.u32 $0xFF, v54;
	v41 =	vand.u32 $0xFF, v63;
	(xrf0) =	vadd.scan.msk.s32 $0xffff, v31;
	v63 =	vadd.s32 v36, v58  }
0xd5: {  	s25 =	simm.s32 $0x40;
	v30 =	vadd.s32 v56, v35;
	v35 =	vshrl.u32 v46, $0x18;
	v46 =	vadd.s32 v63, v49  }
0xd6: {  	v31 =	vor.u32 s25, v0;
	v51 =	vadd.s32 $0xFFFFFFFF, v44;
	v57 =	vadd.s32 v46, v39;
	v50, _, _ =	vpop (xrf0)  }
0xd7: {  	v41 =	vadd.s32 v41, v63;
	v32 =	vadd.s32 v57, v32;
	v59 =	vand.u32 $0xFF, v50  }
0xd8: {  	v60 =	vshrl.u32 v50, $0x8;
	v61 =	vshrl.u32 v50, $0x10;
	v38, _, _ =	vpop (xrf0);
	v62 =	vadd.s32 v59, v27  }
0xd9: {  	v52 =	vand.u32 $0xFF, v60;
	v53 =	vand.u32 $0xFF, v38;
	v56 =	vand.u32 $0xFF, v61  }
0xda: {  	[tilespmem:$0x1FFF0] =	vst v48;
	v54, _, _ =	vpop (xrf0);
	v44 =	vshrl.u32 v38, $0x18;
	v59 =	vshrl.u32 v50, $0x18;
	v48 =	vadd.s32 $0xFFFFFFFF, v62  }
0xdb: {  	v53 =	vadd.s32 v53, v42;
	v55 =	vshrl.u32 v54, $0x10;
	v52 =	vadd.s32 v52, v27  }
0xdc: {  	v27 =	vshrl.u32 v54, $0x8;
	v43 =	vadd.s32 v56, v43;
	v42 =	vmpcnt.ones.xlane vm13  }
0xdd: {  	[tilespmem:v51+s12+$0x0] =	vst.idx.msk vm2, v33;
	v29 =	vadd.s32 v59, v29;
	v49 =	vand.u32 $0xFF, v54;
	v54 =	vshrl.u32 v54, $0x18  }
0xde: {  	[tilespmem:v51+s13+$0x0] =	vst.idx.msk vm2, v31;
	v51 =	vshrl.u32 v38, $0x8;
	v60 =	vand.u32 $0xFF, v27;
	v27 =	vadd.s32 v34, v47  }
0xdf: {  	v61 =	vand.u32 $0xFF, v55;
	v47 =	vadd.s32 $0xFFFFFFFF, v43;
	v33 =	vadd.s32 $0xFFFFFFFF, v53  }
0xe0: {  	v39 =	vadd.s32 $0xFFFFFFFF, v29;
	v50 =	vadd.s32 $0xFFFFFFFF, v52;
	v43 =	vadd.s32 v54, v32  }
0xe1: {  	s22 =	simm.s32 $0x0;
	v62 =	vadd.s32 v61, v27;
	v27 =	vadd.s32 v27, v45;
	v63 =	vadd.s32 v60, v57  }
0xe2: {  	s23 =	simm.s32 $0x76C0;
	s24 =	simm.s32 $0x86C0;
	s21 =	simm.s32 $0x0;
	v45 =	vadd.s32 $0xFFFFFFFF, v41;
	v29 =	vadd.s32 $0xFFFFFFFF, v62;
	v41 =	vadd.s32 $0xFFFFFFFF, v63  }
.LBB2_5:
0xe3: {  	v59 =	vld [tilespmem:s24+$0xFFFFFFC0];
	[tilespmem:v48+s12+$0x0] =	vst.idx.msk vm14, v26  }
0xe4: {  	v52 =	vimm.s32 $0x0;
	[tilespmem:v33+s12+$0x0] =	vst.idx.msk vm12, v24;
	v34 =	vadd.s32 v49, v34  }
0xe5: {  	v52 =	vsel vm13, $0xFFFFFFFF, v52;
	[tilespmem:v48+s13+$0x0] =	vst.idx.msk vm14, v37;
	v32 =	vadd.s32 v32, v42;
	v42 =	vadd.s32 $0xFFFFFFFF, v34  }
0xe6: {  	v58 =	vimm.s32 $0x0;
	v51 =	vand.u32 $0xFF, v51;
	[tilespmem:$0x1FFA0] =	vst v52  }
0xe7: {  	v24 =	vimm.s32 $0x0;
	v54 =	vld [tilespmem:s24+$0x20];
	v52 =	vsel vm0, $0xFFFFFFFF, v58;
	[tilespmem:v50+s14+$0x0] =	vst.idx.msk vm8, v21;
	vm0 =	vmmov vm10  }
0xe8: {  	v26 =	vadd.s32 v51, v40;
	v40 =	vld [tilespmem:s24+$0x30];
	v24 =	vsel vm0, $0xFFFFFFFF, v24;
	[tilespmem:v50+s15+$0x0] =	vst.idx.msk vm8, v37  }
0xe9: {  	v37 =	vld [tilespmem:s23+$0x30];
	[tilespmem:$0x1FF80] =	vst v24  }
0xea: {  	vm0 =	vmmov vm11;
	v24 =	vimm.s32 $0x0;
	[tilespmem:v42+s12+$0x0] =	vst.idx.msk vm5, v23;
	v23 =	vld [tilespmem:$0x1FFF0]  }
0xeb: {  	v24 =	vsel vm0, $0xFFFFFFFF, v24;
	vm0 =	vle.f32 v59, v19;
	v21 =	vmov v59;
	v59 =	vld [tilespmem:$0x1FFE0]  }
0xec: {  	v53 =	vshrl.u32 v38, $0x10;
	v38 =	vld [tilespmem:s24+$0x10]  }
0xed: {  	v35 =	vadd.s32 v35, v46;
	v62 =	vld [tilespmem:$0x1FFD0]  }
0xee: {  	s26 =	sadd.s32 $0x20, s21;
	v49 =	vld [tilespmem:s23+$0x10];
	v63 =	vor.u32 s21, v1;
	v60 =	vand.u32 $0xFF, v53;
	v48 =	vadd.s32 $0xFFFFFFFF, v26;
	[tilespmem:v47+s12+$0x0] =	vst.idx.msk vm9, v17  }
0xef: {  	v26 =	vadd.s32 v60, v28;
	v50 =	vor.u32 s26, v0;
	v17 =	vld [tilespmem:s23+$0xFFFFFFD0];
	[tilespmem:v47+s13+$0x0] =	vst.idx.msk vm9, v63;
	vm9 =	vnez.u8 v23  }
0xf0: {  	v61 =	vimm.s32 $0x0;
	v46 =	vadd.s32 $0xFFFFFFFF, v26;
	v26 =	vld [tilespmem:s24+$0x0];
	[tilespmem:v33+s13+$0x0] =	vst.idx.msk vm12, v50;
	vm12 =	vnez.u8 v59  }
0xf1: {  	s28 =	sadd.s32 $0x60, s21;
	vm14 =	vmmov vm15;
	v28 =	vadd.s32 v44, v36;
	v36 =	vld [tilespmem:s23+$0x0];
	[tilespmem:$0x1FF70] =	vst v24;
	v24 =	vmpcnt.ones.xlane vm0  }
0xf2: {  	v56 =	vor.u32 s28, v0;
	v58 =	vimm.s32 $0x0;
	vm1 =	vnez.u8 v62  }
0xf3: {  	[tilespmem:$0x1FF90] =	vst v52;
	vm3 =	vle.f32 v38, v19;
	vm8 =	vle.f32 v49, v22;
	v33 =	vadd.s32 v32, v24;
	v24 =	vld [tilespmem:s23+$0xFFFFFFE0]  }
0xf4: {  	vm15 =	vle.f32 v54, v19;
	v34 =	vsel vm0, $0xFFFFFFFF, v61;
	vm2 =	vmmov vm1;
	v23 =	vld [tilespmem:s23+$0x20];
	[tilespmem:v42+s13+$0x0] =	vst.idx.msk vm5, v56  }
0xf5: {  	vm1 =	vmmov vm7;
	v52 =	vsel vm0, $0x100, v2;
	vm0 =	vle.f32 v40, v19;
	[tilespmem:v45+s14+$0x0] =	vst.idx.msk vm9, v14;
	v14 =	vmovc v26  }
0xf6: {  	v61 =	vsel vm3, $0x1000000, v2;
	vm4 =	vle.f32 v36, v22;
	[tilespmem:v39+s14+$0x0] =	vst.idx.msk vm12, v25;
	vm10 =	vle.f32 v14, v19  }
0xf7: {  	v44 =	vsel vm0, $0xFFFFFFFF, v58;
	v60 =	vsel vm4, $0x1, v2;
	[tilespmem:v41+s14+$0x0] =	vst.idx.msk vm14, v20;
	v26 =	vld [tilespmem:s23+$0xFFFFFFC0];
	v58 =	vsel vm10, $0x100, v2  }
0xf8: {  	v25 =	vsel vm8, $0x10000, v2;
	[tilespmem:v45+s15+$0x0] =	vst.idx.msk vm9, v31;
	v31 =	vadd.s32 $0xFFFFFFFF, v43;
	v43 =	vld [tilespmem:s23+$0xFFFFFFF0];
	v45 =	vor.u32 v60, v58  }
0xf9: {  	v53 =	vld [tilespmem:s24+$0xFFFFFFF0];
	v55 =	vsel vm0, $0x1000000, v2;
	vm0 =	vle.f32 v24, v22;
	[tilespmem:v41+s15+$0x0] =	vst.idx.msk vm14, v56;
	v58 =	vor.u32 v25, v45  }
0xfa: {  	v47 =	vor.u32 s26, v1;
	v57 =	vld [tilespmem:s24+$0xFFFFFFE0];
	[tilespmem:v39+s15+$0x0] =	vst.idx.msk vm12, v63;
	vm12 =	vle.f32 v17, v22;
	v62 =	vor.u32 v61, v58  }
0xfb: {  	v41 =	vsel vm0, $0x1, v2;
	v51 =	vsel vm12, $0x10000, v2;
	[tilespmem:v48+s14+$0x0] =	vst.idx.msk vm1, v18;
	(xrf0) =	vadd.scan.msk.s32 $0xffff, v62;
	v62 =	vld [tilespmem:$0x1FF70]  }
0xfc: {  	[tilespmem:v48+s15+$0x0] =	vst.idx.msk vm1, v50;
	v48 =	vmpcnt.ones.xlane vm12;
	vm14 =	vle.f32 v26, v22;
	v61 =	vimm.s32 $0x0  }
0xfd: {  	[tilespmem:v46+s12+$0x0] =	vst.idx.msk vm2, v16;
	vm9 =	vle.f32 v43, v22;
	v56 =	vmpcnt.ones.xlane vm14;
	v58 =	vsel vm14, $0x1, v2  }
0xfe: {  	v20 =	vmovc v54;
	[tilespmem:v46+s13+$0x0] =	vst.idx.msk vm2, v47;
	v54 =	vsel vm9, $0x10000, v2;
	v63 =	vor.u32 v58, v52;
	v46 =	vsel vm9, $0xFFFFFFFF, v61  }
0xff: {  	v52 =	vadd.s32 v27, v56;
	v56 =	vmpcnt.ones.xlane vm0;
	[tilespmem:$0x1FFD0] =	vst v46;
	v46 =	vmpcnt.ones.xlane vm9  }
0x100: {  	vm9 =	vmmov vm12;
	vm12 =	vmmov vm0;
	vm0 =	vnez.u8 v62  }
0x101: {  	v28 =	vadd.s32 $0xFFFFFFFF, v28;
	_ =	sdelay $0x1  }
0x102: {  	v25 =	vld [tilespmem:s24+$0xFFFFFFD0]  }
0x103: {  	v30 =	vadd.s32 $0xFFFFFFFF, v30;
	_ =	sdelay $0x1  }
0x104: {  	vm11 =	vle.f32 v53, v19;
	[tilespmem:v28+s14+$0x0] =	vst.idx.msk vm0, v12;
	v12 =	vmov v53;
	v53 =	vld [tilespmem:$0x1FF80]  }
0x105: {  	v35 =	vadd.s32 $0xFFFFFFFF, v35;
	[tilespmem:$0x1FFC0] =	vst v34;
	v34 =	vor.u32 s28, v1  }
0x106: {  	[tilespmem:$0x1FFB0] =	vst v44;
	v44 =	vor.u32 s25, v1;
	vm13 =	vle.f32 v37, v22;
	vm1 =	vle.f32 v25, v19  }
0x107: {  	v59 =	vsel vm13, $0x10000, v2;
	[tilespmem:v30+s12+$0x0] =	vst.idx.msk vm6, v13;
	v16 =	vmovc v43;
	v43 =	vor.u32 v51, v63;
	v50 =	vsel vm1, $0x1000000, v2  }
0x108: {  	vm7 =	vle.f32 v57, v19;
	v42 =	vmpcnt.ones.xlane vm3;
	[tilespmem:v30+s13+$0x0] =	vst.idx.msk vm6, v44;
	v30 =	vor.u32 v50, v43  }
0x109: {  	vm5 =	vle.f32 v23, v22;
	v51, _, _ =	vpop (xrf0);
	(xrf0) =	vadd.scan.msk.s32 $0xffff, v30;
	v30 =	vld [tilespmem:$0x1FFA0];
	[tilespmem:v28+s15+$0x0] =	vst.idx.msk vm0, v47;
	vm0 =	vnez.u8 v53  }
0x10a: {  	v39 =	vsel vm15, $0x100, v2;
	v13 =	vmovc v49;
	v49 =	vsel vm7, $0x100, v2;
	v60 =	vsel vm5, $0x1, v2  }
0x10b: {  	v41 =	vor.u32 v41, v49;
	vm6 =	vmmov vm8;
	v39 =	vor.u32 v60, v39  }
0x10c: {  	v45 =	vsel vm11, $0x1000000, v2;
	v39 =	vor.u32 v59, v39;
	v63 =	vmpcnt.ones.xlane vm4  }
0x10d: {  	v18 =	vmovc v57;
	v58 =	vadd.s32 v52, v48;
	v57 =	vmpcnt.ones.xlane vm1;
	v62 =	vimm.s32 $0x0  }
0x10e: {  	v61 =	vsel vm1, $0xFFFFFFFF, v62;
	vm1 =	vnez.u8 v30;
	v28 =	vadd.s32 v58, v56  }
0x10f: {  	v43 =	vmpcnt.ones.xlane vm11;
	[tilespmem:v29+s12+$0x0] =	vst.idx.msk vm0, v15;
	v15 =	vor.u32 v54, v41;
	v54 =	vadd.s32 v28, v46  }
0x110: {  	v62 =	vshrl.u32 v51, $0x10;
	v47 =	vshrl.u32 v51, $0x8;
	v41 =	vadd.s32 v54, v63;
	v63 =	vld [tilespmem:$0x1FF90]  }
0x111: {  	v30 =	vand.u32 $0xFF, v62;
	v56 =	vand.u32 $0xFF, v51;
	v53 =	vmpcnt.ones.xlane vm8  }
0x112: {  	[tilespmem:v29+s13+$0x0] =	vst.idx.msk vm0, v34;
	v29 =	vimm.s32 $0x0;
	v46 =	vadd.s32 v56, v54;
	v54 =	vor.u32 v45, v15  }
0x113: {  	[tilespmem:$0x1FFE0] =	vst v61;
	v45 =	vand.u32 $0xFF, v47;
	v47, _, _ =	vpop (xrf0);
	v29 =	vsel vm10, $0xFFFFFFFF, v29;
	v61 =	vadd.s32 $0xFFFFFFFF, v46  }
0x114: {  	[tilespmem:v31+s14+$0x0] =	vst.idx.msk vm1, v11;
	(xrf0) =	vadd.scan.msk.s32 $0xffff, v54;
	v30 =	vadd.s32 v30, v41;
	v59 =	vand.u32 $0xFF, v47  }
0x115: {  	v60 =	vshrl.u32 v47, $0x8;
	[tilespmem:v31+s15+$0x0] =	vst.idx.msk vm1, v34;
	v31 =	vor.u32 v55, v39;
	v55 =	vld [tilespmem:$0x1FFB0];
	vm0 =	vnez.u8 v63  }
0x116: {  	s20 =	sadd.s32 $0x80, s20;
	v56 =	vld [tilespmem:$0x1FFC0];
	v11 =	vmovc v40;
	v40 =	vadd.s32 v33, v57;
	[tilespmem:$0x1FFF0] =	vst v29;
	v29 =	vmpcnt.ones.xlane vm10;
	vm10 =	vmmov vm13  }
0x117: {  	v34 =	vadd.s32 v41, v53;
	v15 =	vmovc v37;
	v37 =	vor.u32 s20, v0;
	v39 =	vmpcnt.ones.xlane vm5;
	(xrf0) =	vadd.scan.msk.s32 $0xffff, v31  }
0x118: {  	s25 =	sadd.s32 $0x40, s20;
	v41 =	vmpcnt.ones.xlane vm15;
	v27 =	vadd.s32 v59, v27;
	v62 =	vand.u32 $0xFF, v60  }
0x119: {  	v31 =	vor.u32 s25, v0;
	v48 =	vadd.s32 $0xFFFFFFFF, v27;
	v50 =	vadd.s32 v62, v32  }
0x11a: {  	v39 =	vadd.s32 v34, v39;
	v50 =	vadd.s32 $0xFFFFFFFF, v50;
	vm1 =	vnez.u8 v55  }
0x11b: {  	vm8 =	vnez.u8 v56;
	v63 =	vmpcnt.ones.xlane vm10;
	vm13 =	vmmov vm1;
	[tilespmem:v35+s14+$0x0] =	vst.idx.msk vm0, v10  }
0x11c: {  	v10 =	vmov v38;
	v38, _, _ =	vpop (xrf0);
	[tilespmem:v35+s15+$0x0] =	vst.idx.msk vm0, v44;
	vm0 =	vmmov vm3;
	v35 =	vshrl.u32 v51, $0x18  }
0x11d: {  	v27 =	vand.u32 $0xFF, v38;
	v57, _, _ =	vpop (xrf0);
	v44 =	vshrl.u32 v38, $0x18;
	v51 =	vshrl.u32 v38, $0x8  }
0x11e: {  	[tilespmem:v61+s12+$0x0] =	vst.idx.msk vm4, v36;
	v36 =	vmpcnt.ones.xlane vm7;
	v58 =	vadd.s32 v27, v58;
	v27 =	vshrl.u32 v57, $0x10  }
0x11f: {  	v49 =	vand.u32 $0xFF, v57;
	[tilespmem:v61+s13+$0x0] =	vst.idx.msk vm4, v31;
	v61 =	vshrl.u32 v47, $0x10;
	v47 =	vshrl.u32 v47, $0x18  }
0x120: {  	v27 =	vand.u32 $0xFF, v27;
	v36 =	vadd.s32 v40, v36;
	v59 =	vand.u32 $0xFF, v61  }
0x121: {  	s22 =	sadd.s32 $0x4, s22;
	v61 =	vshrl.u32 v57, $0x18;
	v33 =	vadd.s32 v47, v33;
	v62 =	vadd.s32 v27, v39  }
0x122: {  	p0 =	slt.u32 s22, $0x7C;
	v27 =	vadd.s32 v39, v63;
	v43 =	vadd.s32 v36, v43;
	v60 =	vadd.s32 v59, v52  }
.Ltmp5:
0x123: {  	v39 =	vadd.s32 $0xFFFFFFFF, v33;
	v33 =	vadd.s32 $0xFFFFFFFF, v58;
	v45 =	vadd.s32 v45, v43;
	(pc) =	sbr.rel @p0 .LBB2_5-.Ltmp5, $4  }
0x124: {  	v46 =	vadd.s32 v43, v29;
	v29 =	vshrl.u32 v57, $0x8;
	v47 =	vadd.s32 $0xFFFFFFFF, v60  }
0x125: {  	v43 =	vadd.s32 v46, v42;
	v42 =	vmpcnt.ones.xlane vm13;
	v29 =	vand.u32 $0xFF, v29  }
0x126: {  	v45 =	vadd.s32 $0xFFFFFFFF, v45;
	v32 =	vadd.s32 v43, v41;
	v63 =	vadd.s32 v29, v43  }
0x127: {  	s21 =	smov.u32 s20;
	s23 =	sadd.s32 $0x80, s23;
	s24 =	sadd.s32 $0x80, s24;
	v29 =	vadd.s32 $0xFFFFFFFF, v62;
	v41 =	vadd.s32 $0xFFFFFFFF, v63;
	v43 =	vadd.s32 v61, v32  }
0x128: {  	_ =	sdelay $0x4  }
0x129: {  	[tilespmem:v48+s12+$0x0] =	vst.idx.msk vm14, v26  }
0x12a: {  	[tilespmem:v33+s12+$0x0] =	vst.idx.msk vm12, v24  }
0x12b: {  	s20 =	sadd.s32 $0x20, s21;
	[tilespmem:v48+s13+$0x0] =	vst.idx.msk vm14, v37  }
0x12c: {  	v56 =	vor.u32 s20, v0;
	[tilespmem:v50+s14+$0x0] =	vst.idx.msk vm8, v21  }
0x12d: {  	[tilespmem:v33+s13+$0x0] =	vst.idx.msk vm12, v56  }
0x12e: {  	[tilespmem:v50+s15+$0x0] =	vst.idx.msk vm8, v37  }
0x12f: {  	v22 =	vor.u32 s21, v1;
	[tilespmem:v47+s12+$0x0] =	vst.idx.msk vm9, v17  }
0x130: {  	[tilespmem:v47+s13+$0x0] =	vst.idx.msk vm9, v22  }
0x131: {  	v17 =	vld [tilespmem:$0x1FFE0];
	_ =	sdelay $0x3  }
0x132: {  	v19 =	vadd.s32 v49, v34  }
0x133: {  	v19 =	vadd.s32 $0xFFFFFFFF, v19;
	vm3 =	vnez.u8 v17;
	_ =	sdelay $0x4  }
0x134: {  	[tilespmem:v19+s12+$0x0] =	vst.idx.msk vm5, v23  }
0x135: {  	[tilespmem:v39+s14+$0x0] =	vst.idx.msk vm3, v25  }
0x136: {  	v24 =	vld [tilespmem:$0x1FFF0];
	_ =	sdelay $0x4  }
0x137: {  	vm2 =	vnez.u8 v24;
	_ =	sdelay $0x1  }
0x138: {  	(v2sf) =	vpush v27, $0x0;
	_ =	sdelay $0x3  }
0x139: {  	s30 =	sadd.s32 $0x60, s21;
	[tilespmem:v45+s14+$0x0] =	vst.idx.msk vm2, v14  }
0x13a: {  	v14 =	vor.u32 s30, v0;
	[tilespmem:v45+s15+$0x0] =	vst.idx.msk vm2, v31  }
0x13b: {  	[tilespmem:v19+s13+$0x0] =	vst.idx.msk vm5, v14  }
0x13c: {  	v61 =	vld [tilespmem:$0x1FFD0]  }
0x13d: {  	v57 =	vand.u32 $0xFF, v51  }
0x13e: {  	v59 =	vadd.s32 $0xFFFFFFFF, v30;
	v17 =	vadd.s32 v57, v40  }
0x13f: {  	v17 =	vadd.s32 $0xFFFFFFFF, v17  }
0x140: {  	v58 =	vshrl.u32 v38, $0x10  }
0x141: {  	v23 =	vand.u32 $0xFF, v58;
	[tilespmem:v41+s14+$0x0] =	vst.idx.msk vm15, v20;
	vm12 =	vnez.u8 v61  }
0x142: {  	v60 =	vadd.s32 v23, v28;
	[tilespmem:v39+s15+$0x0] =	vst.idx.msk vm3, v22;
	vm2 =	vmmov vm12  }
0x143: {  	v19 =	vadd.s32 $0xFFFFFFFF, v60;
	[tilespmem:v59+s12+$0x0] =	vst.idx.msk vm6, v13  }
0x144: {  	v62 =	vadd.s32 v44, v36;
	[tilespmem:v17+s14+$0x0] =	vst.idx.msk vm7, v18;
	v13 =	vor.u32 s20, v1;
	s20 =	spop (v2sf)  }
0x145: {  	[tilespmem:v41+s15+$0x0] =	vst.idx.msk vm15, v14;
	v14 =	vadd.s32 $0xFFFFFFFF, v62;
	s22 =	sadd.s32 $0xF, s20  }
0x146: {  	[tilespmem:v17+s15+$0x0] =	vst.idx.msk vm7, v56;
	s23 =	sand.u32 $0xF, s22  }
0x147: {  	[tilespmem:v29+s12+$0x0] =	vst.idx.msk vm10, v15;
	s31 =	sshra.s32 s22, $0x1F;
	p1 =	slt.s32 s22, $0x1;
	p0 =	sne.s32 s23, $0x0  }
0x148: {  	v63 =	vadd.s32 v35, v46;
	s21 =	sshrl.u32 s31, $0x1C;
	p0 =	por !p1, !p0;
	[tilespmem:v19+s12+$0x0] =	vst.idx.msk vm2, v16  }
0x149: {  	s21 =	sadd.s32 s21, s22;
	s22 =	simm.s32 $0x1;
	p0 =	por !p0, !p0;
	v16 =	vadd.s32 $0xFFFFFFFF, v63;
	[tilespmem:v19+s13+$0x0] =	vst.idx.msk vm2, v13  }
0x14a: {  	s21 =	sshra.s32 s21, $0x4;
	s22 =	simm.s32 @!p0 $0x0;
	[tilespmem:v14+s14+$0x0] =	vst.idx.msk vm11, v12  }
0x14b: {  	s21 =	ssub.s32 s21, s22;
	v12 =	vadd.s32 $0xFFFFFFFF, v43;
	[tilespmem:v14+s15+$0x0] =	vst.idx.msk vm11, v13;
	v13 =	vor.u32 s30, v1  }
0x14c: {  	p0 =	slt.s32 s21, $0x1;
	v14 =	vor.u32 s25, v1;
	[tilespmem:v29+s13+$0x0] =	vst.idx.msk vm10, v13  }
.Ltmp6:
0x14d: {  	[tilespmem:v59+s13+$0x0] =	vst.idx.msk vm6, v14;
	(pc) =	sbr.rel @p0 .LBB2_14-.Ltmp6, $4  }
0x14e: {  	[tilespmem:v16+s14+$0x0] =	vst.idx.msk vm0, v10  }
0x14f: {  	vm4 =	vmmov vm15;
	[tilespmem:v16+s15+$0x0] =	vst.idx.msk vm0, v14  }
0x150: {  	vm1 =	vmmov vm7;
	vm14 =	vmmov vm11;
	vm4 =	vmmov vm10;
	[tilespmem:v12+s14+$0x0] =	vst.idx.msk vm13, v11  }
0x151: {  	v10 =	vimm.s32 $0x0;
	v11 =	vimm.s32 $0x0;
	[tilespmem:v12+s15+$0x0] =	vst.idx.msk vm13, v13;
	v12 =	vadd.s32 v32, v42  }
0x152: {  	p2 =	sne.s32 s21, $0x1  }
.Ltmp7:
0x153: {  	_ = 	snop;
	(pc) =	sbr.rel @!p2 .LBB2_8-.Ltmp7, $3  }
0x154: {  	_ =	sdelay $0x1  }
0x155: {  	s23 =	simm.s32 $0x3600;
	s22 =	simm.s32 $0x4600  }
0x156: {  	v11 =	vimm.f32 $+Inf;
	s21 =	sadd.s32 $0xFFFFFFFF, s21;
	p0 =	por $0x0, $0x0;
	p1 =	por $0x0, $0x0;
	v13 =	vld [tilespmem:s23+$0x0]  }
0x157: {  	v14 =	vld [tilespmem:s22+$0x0];
	p2 =	sne.s32 s21, $0x1  }
.Ltmp8:
0x158: {  	_ = 	snop;
	(pc) =	sbr.rel @!p2 .LBB2_10-.Ltmp8, $4  }
0x159: {  	v15 =	vmov s20  }
0x15a: {  	vm0 =	vgt.s32 v15, v0  }
0x15b: {  	s31 =	simm.s32 $0x3610;
	v13 =	vnsel vm0, $0x7F800000, v13  }
0x15c: {  	s24 =	sadd.s32 $0xFFFFFFFF, s21;
	s22 =	simm.s32 $0x4610;
	p0 =	por $0x1, $0x1;
	(xrf1) =	vsort.ascd.msk.f32 $0xffff, v13, v14;
	v13 =	vld [tilespmem:s31+$0x0]  }
0x15d: {  	_ =	sdelay $0xa  }
0x15e: {  	v14 =	vmul.u32 $0xFFFFFFFF, v0;
	v15 =	vld [tilespmem:s22+$0x0]  }
0x15f: {  	s21 =	sadd.s32 $0xFFFFFFF0, s20  }
0x160: {  	v18 =	vmov s21;
	v14 =	vadd.s32 $0xF, v14;
	v16, v17, _ =	vpop (xrf1)  }
0x161: {  	vm0 =	vgt.s32 v18, v0;
	v16 =	vperm.xlane v16, v14  }
0x162: {  	v13 =	vnsel vm0, $0x7F800000, v13;
	v17 =	vperm.xlane v17, v14  }
0x163: {  	(xrf1) =	vsort.ascd.msk.f32 $0xffff, v13, v15;
	vm15 =	vle.f32 v11, v16  }
0x164: {  	v13 =	vsel vm15, v11, v16;
	v15 =	vsel vm15, v10, v17  }
0x165: {  	(xrf1) =	vsort.ascd.msk.f32 $0xffff, v13, v15;
	_ =	sdelay $0x3  }
0x166: {  	p2 =	sne.s32 s24, $0x1  }
.Ltmp9:
0x167: {  	_ = 	snop;
	(pc) =	sbr.rel @!p2 .LBB2_13-.Ltmp9, $3  }
0x168: {  	_ =	sdelay $0x1  }
0x169: {  	s23 =	simm.s32 $0x3620  }
0x16a: {  	s24 =	sadd.s32 $0xFFFFFFFF, s24;
	s22 =	simm.s32 $0x4620;
	p1 =	por $0x1, $0x1;
	v13 =	vld [tilespmem:s23+$0x0]  }
.LBB2_12:
0x16b: {  	p2 =	sne.s32 s24, $0x1;
	v15 =	vld [tilespmem:s22+$0x0]  }
0x16c: {  	s21 =	sadd.s32 $0xFFFFFFF0, s21  }
0x16d: {  	v16 =	vmov s21;
	v17, v18, _ =	vpop (xrf1)  }
0x16e: {  	vm0 =	vgt.s32 v16, v0;
	v16 =	vperm.xlane v17, v14  }
0x16f: {  	v17 =	vperm.xlane v18, v14;
	v13 =	vnsel vm0, $0x7F800000, v13;
	v18, v19, _ =	vpop (xrf1)  }
0x170: {  	(xrf1) =	vsort.ascd.msk.f32 $0xffff, v13, v15;
	vm0 =	vle.f32 v18, v16  }
0x171: {  	v13 =	vsel vm0, v18, v16;
	v15 =	vsel vm0, v19, v17  }
0x172: {  	(xrf1) =	vsort.ascd.msk.f32 $0xffff, v13, v15;
	_ =	sdelay $0x4  }
.Ltmp10:
0x173: {  	(pc) =	sbr.rel @p2 .LBB2_12-.Ltmp10, $3  }
0x174: {  	_ =	sdelay $0x1  }
0x175: {  	s23 =	sadd.s32 $0x10, s23  }
0x176: {  	s24 =	sadd.s32 $0xFFFFFFFF, s24;
	s22 =	sadd.s32 $0x10, s22;
	v13 =	vld [tilespmem:s23+$0x0]  }
.LBB2_13:
0x177: {  	_ = 	snop  }
0x178: {  	v14 =	vmul.u32 @p0 $0xFFFFFFFF, v0  }
0x179: {  	v15 =	vld [tilespmem:s22+$0x0];
	s21 =	sadd.s32 @p0 $0xFFFFFFF0, s21  }
0x17a: {  	s20 =	smov.u32 @p0 s21;
	v14 =	vadd.s32 @p0 $0xF, v14;
	v16, v17, _ =	vpop @p0 (xrf1)  }
0x17b: {  	v18 =	vmov s20;
	v16 =	vperm.xlane @p0 v16, v14;
	v19, v20, _ =	vpop @p1 (xrf1)  }
0x17c: {  	vm0 =	vgt.s32 v18, v0;
	v14 =	vperm.xlane @p0 v17, v14;
	v17 =	vpsel p1, v19, v11  }
0x17d: {  	v13 =	vnsel vm0, $0x7F800000, v13;
	v18 =	vpsel p1, v20, v10;
	vm0 =	vle.f32 @p0 v17, v16  }
0x17e: {  	(xrf1) =	vsort.ascd.msk.f32 $0xffff, v13, v15;
	v13 =	vsel @p0 vm0, v17, v16;
	v14 =	vsel @p0 vm0, v18, v14  }
0x17f: {  	(xrf1) =	vsort.ascd.msk.f32 @p0 $0xffff, v13, v14;
	_ =	sdelay $0xa  }
0x180: {  	v13 =	vmul.u32 $0xFFFFFFFF, v0;
	_ =	sdelay $0x1  }
0x181: {  	v13 =	vadd.s32 $0xF, v13;
	v14, v15, _ =	vpop (xrf1)  }
0x182: {  	v14 =	vperm.xlane v14, v13;
	v16, v17, _ =	vpop @p0 (xrf1)  }
0x183: {  	v13 =	vperm.xlane v15, v13;
	v11 =	vpsel p0, v16, v11  }
0x184: {  	v15 =	vpsel p0, v17, v10;
	vm15 =	vle.f32 v11, v14  }
0x185: {  	v11 =	vsel vm15, v11, v14;
	v13 =	vsel vm15, v15, v13  }
0x186: {  	(xrf1) =	vsort.ascd.msk.f32 $0xffff, v11, v13;
	_ =	sdelay $0xd  }
0x187: {  	v13, v11, _ =	vpop (xrf1)  }
.LBB2_14:
0x188: {  	(v2sf) =	vpush v12, $0x0;
	_ =	sdelay $0xe  }
0x189: {  	s20 =	spop (v2sf)  }
0x18a: {  	s21 =	sadd.s32 $0xF, s20  }
0x18b: {  	s22 =	sand.u32 $0xF, s21  }
0x18c: {  	s31 =	sshra.s32 s21, $0x1F;
	p1 =	slt.s32 s21, $0x1;
	p0 =	sne.s32 s22, $0x0  }
0x18d: {  	s22 =	sshrl.u32 s31, $0x1C;
	p0 =	por !p1, !p0  }
0x18e: {  	s21 =	sadd.s32 s22, s21;
	s22 =	simm.s32 $0x1;
	p0 =	por !p0, !p0  }
0x18f: {  	s21 =	sshra.s32 s21, $0x4;
	s22 =	simm.s32 @!p0 $0x0  }
0x190: {  	s21 =	ssub.s32 s21, s22  }
0x191: {  	p0 =	slt.s32 s21, $0x1  }
.Ltmp11:
0x192: {  	_ = 	snop;
	(pc) =	sbr.rel @p0 .LBB2_22-.Ltmp11, $1  }
0x193: {  	_ =	sdelay $0x3  }
0x194: {  	p2 =	sne.s32 s21, $0x1  }
.Ltmp12:
0x195: {  	_ = 	snop;
	(pc) =	sbr.rel @!p2 .LBB2_16-.Ltmp12, $3  }
0x196: {  	_ =	sdelay $0x1  }
0x197: {  	s23 =	simm.s32 $0x5600;
	s22 =	simm.s32 $0x6600  }
0x198: {  	v12 =	vimm.f32 $+Inf;
	s21 =	sadd.s32 $0xFFFFFFFF, s21;
	p0 =	por $0x0, $0x0;
	p1 =	por $0x0, $0x0;
	v13 =	vld [tilespmem:s23+$0x0]  }
0x199: {  	v14 =	vld [tilespmem:s22+$0x0];
	_ =	sdelay $0x1  }
0x19a: {  	v15 =	vmov s20  }
0x19b: {  	vm0 =	vgt.s32 v15, v0  }
0x19c: {  	v13 =	vnsel vm0, $0x7F800000, v13  }
0x19d: {  	(xrf1) =	vsort.ascd.msk.f32 $0xffff, v13, v14;
	_ =	sdelay $0x5  }
0x19e: {  	p2 =	sne.s32 s21, $0x1  }
.Ltmp13:
0x19f: {  	_ = 	snop;
	(pc) =	sbr.rel @!p2 .LBB2_18-.Ltmp13, $3  }
0x1a0: {  	_ =	sdelay $0x1  }
0x1a1: {  	s31 =	simm.s32 $0x5610  }
0x1a2: {  	s24 =	sadd.s32 $0xFFFFFFFF, s21;
	s22 =	simm.s32 $0x6610;
	p0 =	por $0x1, $0x1;
	v13 =	vld [tilespmem:s31+$0x0]  }
0x1a3: {  	v14 =	vmul.u32 $0xFFFFFFFF, v0  }
0x1a4: {  	v15 =	vld [tilespmem:s22+$0x0]  }
0x1a5: {  	s21 =	sadd.s32 $0xFFFFFFF0, s20;
	v14 =	vadd.s32 $0xF, v14;
	v16, v17, _ =	vpop (xrf1)  }
0x1a6: {  	v18 =	vmov s21;
	v16 =	vperm.xlane v16, v14  }
0x1a7: {  	vm0 =	vgt.s32 v18, v0;
	v17 =	vperm.xlane v17, v14  }
0x1a8: {  	v13 =	vnsel vm0, $0x7F800000, v13;
	vm15 =	vle.f32 v12, v16  }
0x1a9: {  	(xrf1) =	vsort.ascd.msk.f32 $0xffff, v13, v15;
	v13 =	vsel vm15, v12, v16;
	v15 =	vsel vm15, v10, v17  }
0x1aa: {  	(xrf1) =	vsort.ascd.msk.f32 $0xffff, v13, v15;
	_ =	sdelay $0x4  }
0x1ab: {  	p2 =	sne.s32 s24, $0x1  }
.Ltmp14:
0x1ac: {  	_ = 	snop;
	(pc) =	sbr.rel @!p2 .LBB2_21-.Ltmp14, $3  }
0x1ad: {  	_ =	sdelay $0x1  }
0x1ae: {  	s23 =	simm.s32 $0x5620  }
0x1af: {  	s24 =	sadd.s32 $0xFFFFFFFF, s24;
	s22 =	simm.s32 $0x6620;
	p1 =	por $0x1, $0x1;
	v13 =	vld [tilespmem:s23+$0x0]  }
.LBB2_20:
0x1b0: {  	p2 =	sne.s32 s24, $0x1;
	v15 =	vld [tilespmem:s22+$0x0]  }
0x1b1: {  	s21 =	sadd.s32 $0xFFFFFFF0, s21  }
0x1b2: {  	v16 =	vmov s21;
	v17, v18, _ =	vpop (xrf1)  }
0x1b3: {  	vm0 =	vgt.s32 v16, v0;
	v16 =	vperm.xlane v17, v14  }
0x1b4: {  	v13 =	vnsel vm0, $0x7F800000, v13;
	v17 =	vperm.xlane v18, v14;
	v18, v19, _ =	vpop (xrf1)  }
0x1b5: {  	(xrf1) =	vsort.ascd.msk.f32 $0xffff, v13, v15;
	vm0 =	vle.f32 v18, v16  }
0x1b6: {  	v13 =	vsel vm0, v18, v16;
	v15 =	vsel vm0, v19, v17  }
0x1b7: {  	(xrf1) =	vsort.ascd.msk.f32 $0xffff, v13, v15;
	_ =	sdelay $0x4  }
.Ltmp15:
0x1b8: {  	(pc) =	sbr.rel @p2 .LBB2_20-.Ltmp15, $3  }
0x1b9: {  	_ =	sdelay $0x1  }
0x1ba: {  	s23 =	sadd.s32 $0x10, s23  }
0x1bb: {  	s24 =	sadd.s32 $0xFFFFFFFF, s24;
	s22 =	sadd.s32 $0x10, s22;
	v13 =	vld [tilespmem:s23+$0x0]  }
.Ltmp16:
0x1bc: {  	_ = 	snop;
	(pc) =	sbr.rel .LBB2_21-.Ltmp16, $1  }
0x1bd: {  	_ =	sdelay $0x3  }
.LBB2_8:
.Ltmp17:
0x1be: {  	(pc) =	sbr.rel .LBB2_13-.Ltmp17, $2  }
0x1bf: {  	_ =	sdelay $0x2  }
0x1c0: {  	s21 =	smov.u32 s20  }
.LBB2_10:
.Ltmp18:
0x1c1: {  	(pc) =	sbr.rel .LBB2_13-.Ltmp18, $2  }
0x1c2: {  	_ =	sdelay $0x2  }
0x1c3: {  	s21 =	smov.u32 s20  }
.LBB2_18:
.Ltmp19:
0x1c4: {  	(pc) =	sbr.rel .LBB2_21-.Ltmp19, $2  }
0x1c5: {  	_ =	sdelay $0x2  }
0x1c6: {  	s21 =	smov.u32 s20  }
.LBB2_24:
0x1c7: {  	_ =	sfence.sel $0x180000  }
0x1c8: {  	[bflag:$0x0] =	sbarrier.arrive $0xFFFF  }
0x1c9: {  	p0 =	sne.s32 s0, $0x0;
	_ =	strace $0x90000047  }
0x1ca: {  	s0 =	sadd.s32 @!p0 $0x100000, s1;
	[bflag:$0x2] =	sbarrier.arrive $0xFFFF  }
0x1cb: {  	[sflag:s0] =	ssyncadd.tile.s32 @!p0 $0x1;
	_ =	shalt  }
.Lfunc_end2:
_tile_overlayer_lowered:
.L_overlay_start_2:
0x1cc: {  	(tag) =	ssettag $0x2  }
0x1cd: {  	s0 =	rddreg [dreg:$0x0];
	s2 =	stileid.u32  }
0x1ce: {  	s1 =	rddreg [dreg:$0x1];
	p0 =	sne.s32 s2, $0x0  }
0x1cf: {  	s3 =	rddreg [dreg:$0x2];
	[bflag:$0x3] =	sbarrier.arrive $0xFFFF;
	s2 =	simm.s32 @!p0 $0x1C01  }
0x1d0: {  	[timem:s3], [sflag:s2] =	dma.local @!p0 [hbm:s0], s1  }
0x1d1: {  	s0 =	simm.s32 @!p0 $0x1  }
0x1d2: {  	_ =	swait.ge @!p0 [sflag:s0], s1  }
0x1d3: {  	s1 =	ssub.s32 @!p0 $0x0, s1;
	[sflag:s0] =	ssyncset.done @!p0 $0x0  }
0x1d4: {  	[sflag:s0] =	ssyncadd.s32 @!p0 s1  }
0x1d5: {  	[bflag:$0x3] =	sbarrier.arrive $0xFFFF  }
0x1d6: {  	_ =	shalt  }

</sc_bundles>
